<compile_context>
chip_gen: v7x
topology: tpu7x:2x2x1
jax: 0.10.2.dev20260603
libtpu: 0.0.44.dev20260713+nightly
codegen_flags: <defaults>
</compile_context>

<pallas_src>
import functools

import jax
import jax.numpy as jnp
from jax import lax
from jax.experimental import pallas as pl
from jax.experimental.pallas import tpu as pltpu
from jax.experimental.pallas import tpu_sc as plsc

N, E, D = 10000, 160000, 256
H = D // 2
NC, NS = 2, 16
NP = 10112
RPT = NP // NS
CH = 128
NCHUNK = 80
EPT = NCHUNK * CH
EPAD = NS * EPT
DST_PAD = N + 8
NB = 2
HC = NCHUNK // 2
EPS = 1e-5



def _bn0_body(x_ref, g_ref, b_ref, o_ref):
    x = x_ref[...]
    mean = jnp.mean(x, axis=0, keepdims=True)
    var = jnp.mean((x - mean) ** 2, axis=0, keepdims=True)
    y = (x - mean) / jnp.sqrt(var + EPS) * g_ref[...] + b_ref[...]
    o_ref[:N, :] = y[:, :H]
    o_ref[NP:NP + N, :] = y[:, H:]


def _bn0(x, g, b):
    return pl.pallas_call(
        _bn0_body,
        out_shape=jax.ShapeDtypeStruct((2 * NP, H), jnp.float32),
    )(x, g, b)


def _mlp_body(h_ref, wa_ref, ba_ref, g_ref, b_ref, wb_ref, bb_ref, o_ref,
              *, split_out):
    t = (jnp.dot(h_ref[:N, :], wa_ref[:H, :],
                 preferred_element_type=jnp.float32)
         + jnp.dot(h_ref[NP:NP + N, :], wa_ref[H:, :],
                   preferred_element_type=jnp.float32)
         + ba_ref[...])
    mean = jnp.mean(t, axis=0, keepdims=True)
    var = jnp.mean((t - mean) ** 2, axis=0, keepdims=True)
    t = (t - mean) / jnp.sqrt(var + EPS) * g_ref[...] + b_ref[...]
    t = jnp.maximum(t, 0.0)
    t = jnp.dot(t, wb_ref[...], preferred_element_type=jnp.float32) + bb_ref[...]
    t = jnp.maximum(t, 0.0)
    if split_out:
        o_ref[:N, :] = t[:, :H]
        o_ref[NP:NP + N, :] = t[:, H:]
    else:
        o_ref[...] = t


def _mlp(h_split, wa, ba, g, b, wb, bb, split_out):
    out_shape = (jax.ShapeDtypeStruct((2 * NP, H), jnp.float32) if split_out
                 else jax.ShapeDtypeStruct((N, D), jnp.float32))
    return pl.pallas_call(
        functools.partial(_mlp_body, split_out=split_out),
        out_shape=out_shape,
    )(h_split, wa, ba, g, b, wb, bb)



def _sc_agg_body(xs_hbm, src2d_hbm, dst2d_hbm, out_hbm,
                 sbuf, dbuf, r0, r1, g0, g1, s0, s1, isem, acc):
    rows = [r0, r1]
    gsem = [g0, g1]
    ssem = [s0, s1]
    c = lax.axis_index("c")
    s = lax.axis_index("s")
    base = s * RPT
    pltpu.async_copy(xs_hbm.at[pl.ds(c * NP + base, RPT)],
                     acc.at[pl.ds(base, RPT)], isem)

    for hv in range(2):
        pltpu.sync_copy(
            src2d_hbm.at[pl.ds((c * NS + s) * NCHUNK + hv * HC, HC)], sbuf)
        pltpu.sync_copy(dst2d_hbm.at[pl.ds(s * NCHUNK + hv * HC, HC)], dbuf)
        pltpu.async_copy(xs_hbm.at[sbuf.at[0]], rows[0], gsem[0])
        if hv == 0:
            pltpu.make_async_copy(xs_hbm.at[pl.ds(c * NP + base, RPT)],
                                  acc.at[pl.ds(base, RPT)], isem).wait()
            plsc.subcore_barrier()

        def outer(j0, carry):
            for b in range(NB):
                j = j0 * NB + b
                pltpu.make_async_copy(xs_hbm.at[sbuf.at[j]], rows[b],
                                      gsem[b]).wait()
                pltpu.async_copy(rows[b], acc.at[dbuf.at[j]], ssem[b],
                                 add=True)
                jn = j + 1
                bp = (b + 1) % NB

                @pl.when(jn < HC)
                def _prefetch():
                    @pl.when(j >= 1)
                    def _wait_prev():
                        pltpu.make_async_copy(rows[bp], acc.at[dbuf.at[j]],
                                              ssem[bp]).wait()
                    pltpu.async_copy(xs_hbm.at[sbuf.at[jn]], rows[bp],
                                     gsem[bp])
            return carry

        lax.fori_loop(0, HC // NB, outer, 0, unroll=False)
        for b in range(NB):
            pltpu.make_async_copy(rows[b], acc.at[dbuf.at[b]], ssem[b]).wait()

    plsc.subcore_barrier()
    pltpu.sync_copy(acc.at[pl.ds(base, RPT)],
                    out_hbm.at[pl.ds(c * NP + base, RPT)])


_sc_agg = functools.partial(
    pl.kernel,
    out_type=jax.ShapeDtypeStruct((2 * NP, H), jnp.float32),
    mesh=plsc.VectorSubcoreMesh(core_axis_name="c", subcore_axis_name="s"),
    scratch_types=(
        [pltpu.VMEM((HC, CH), jnp.int32),
         pltpu.VMEM((HC, CH), jnp.int32)]
        + [pltpu.VMEM((CH, H), jnp.float32)] * NB
        + [pltpu.SemaphoreType.DMA] * (2 * NB + 1)
        + [pltpu.VMEM_SHARED((NP, H), jnp.float32)]
    ),
)(_sc_agg_body)



def kernel(x, adj_t, bn0_g, bn0_b, W1a, b1a, bn1_g, bn1_b, W1b, b1b,
           W2a, b2a, bn2_g, bn2_b, W2b, b2b):
    src = adj_t[0]
    dst = adj_t[1]
    pad = EPAD - E
    src_p = jnp.concatenate([src, jnp.zeros((pad,), jnp.int32)])
    dst_p = jnp.concatenate([dst, jnp.full((pad,), DST_PAD, jnp.int32)])
    src2 = jnp.concatenate([src_p, src_p + NP]).reshape(2 * NS * NCHUNK, CH)
    dst2 = dst_p.reshape(NS * NCHUNK, CH)

    g0 = bn0_g.reshape(1, D)
    b0 = bn0_b.reshape(1, D)
    x_bn = _bn0(x, g0, b0)

    h1 = _sc_agg(x_bn, src2, dst2)
    x2 = _mlp(h1, W1a, b1a.reshape(1, D), bn1_g.reshape(1, D),
              bn1_b.reshape(1, D), W1b, b1b.reshape(1, D), split_out=True)

    h2 = _sc_agg(x2, src2, dst2)
    out = _mlp(h2, W2a, b2a.reshape(1, D), bn2_g.reshape(1, D),
               bn2_b.reshape(1, D), W2b, b2b.reshape(1, D), split_out=False)
    return out

# --- scband reference (transcript-rebuilt; emitter-appended) ---
"""Pipeline reference for scband-gin-32066225832508 (READ-ONLY COPY).

The authoritative reference and input builder live on the scoring server;
editing this copy changes nothing except your own understanding.
"""

import jax, jax.numpy as jnp
import numpy as np

N, E, D = 10000, 160000, 256


def _bn(x, gamma, beta, eps=1e-5):
    # BatchNorm1d in training mode: batch statistics over node dim
    mean = jnp.mean(x, axis=0)
    var = jnp.var(x, axis=0)
    return (x - mean) / jnp.sqrt(var + eps) * gamma + beta


def setup_inputs(seed: int = 0) -> dict:
    key = jax.random.key(seed)
    ks = jax.random.split(key, 16)
    s = 1.0 / np.sqrt(D)
    inp = {
        "x": jax.random.normal(ks[0], (N, D), dtype=jnp.float32),
        "adj_t": jax.random.randint(ks[1], (2, E), 0, N, dtype=jnp.int32),
        "bn0_g": jnp.ones((D,), jnp.float32),
        "bn0_b": jnp.zeros((D,), jnp.float32),
        "W1a": jax.random.normal(ks[2], (D, D), jnp.float32) * s,
        "b1a": jnp.zeros((D,), jnp.float32),
        "bn1_g": jnp.ones((D,), jnp.float32),
        "bn1_b": jnp.zeros((D,), jnp.float32),
        "W1b": jax.random.normal(ks[3], (D, D), jnp.float32) * s,
        "b1b": jnp.zeros((D,), jnp.float32),
        "W2a": jax.random.normal(ks[4], (D, D), jnp.float32) * s,
        "b2a": jnp.zeros((D,), jnp.float32),
        "bn2_g": jnp.ones((D,), jnp.float32),
        "bn2_b": jnp.zeros((D,), jnp.float32),
        "W2b": jax.random.normal(ks[5], (D, D), jnp.float32) * s,
        "b2b": jnp.zeros((D,), jnp.float32),
    }
    return inp


def reference(x, adj_t, bn0_g, bn0_b, W1a, b1a, bn1_g, bn1_b, W1b, b1b,
              W2a, b2a, bn2_g, bn2_b, W2b, b2b):
    src = adj_t[0]
    dst = adj_t[1]
    # initial BatchNorm1d(256) applied in forward
    x = _bn(x, bn0_g, bn0_b)
    # GINConv 1: nn((1+eps)*x + sum_{j in N(i)} x_j), eps=0
    agg = jnp.zeros_like(x).at[dst].add(x[src])
    h = x + agg
    h = h @ W1a + b1a
    h = _bn(h, bn1_g, bn1_b)
    h = jax.nn.relu(h)
    h = h @ W1b + b1b
    h = jax.nn.relu(h)
    # outer F.relu is a no-op after ReLU; dropout is identity in eval
    x = h
    # GINConv 2
    agg = jnp.zeros_like(x).at[dst].add(x[src])
    h = x + agg
    h = h @ W2a + b2a
    h = _bn(h, bn2_g, bn2_b)
    h = jax.nn.relu(h)
    h = h @ W2b + b2b
    h = jax.nn.relu(h)
    return h

if __name__ == "__main__":
    import jax
    _d = setup_inputs()
    print(jax.jit(kernel)(*tuple(_d.values())))

</pallas_src>

<mosaic_0001>
#map = affine_map<(d0, d1) -> (0, 0)>
module attributes {stable_mosaic.version = 14 : i64} {
  func.func @_sc_agg_body(%arg0: i32, %arg1: i32, %arg2: memref<20224x128xf32, #tpu.memory_space<hbm>>, %arg3: memref<2560x128xi32, #tpu.memory_space<hbm>>, %arg4: memref<1280x128xi32, #tpu.memory_space<hbm>>, %arg5: memref<20224x128xf32, #tpu.memory_space<hbm>>, %arg6: memref<40x128xi32, #tpu.memory_space<vmem>>, %arg7: memref<40x128xi32, #tpu.memory_space<vmem>>, %arg8: memref<128x128xf32, #tpu.memory_space<vmem>>, %arg9: memref<128x128xf32, #tpu.memory_space<vmem>>, %arg10: memref<!tpu.dma_semaphore, #tpu.memory_space<semaphore_mem>>, %arg11: memref<!tpu.dma_semaphore, #tpu.memory_space<semaphore_mem>>, %arg12: memref<!tpu.dma_semaphore, #tpu.memory_space<semaphore_mem>>, %arg13: memref<!tpu.dma_semaphore, #tpu.memory_space<semaphore_mem>>, %arg14: memref<!tpu.dma_semaphore, #tpu.memory_space<semaphore_mem>>, %arg15: memref<10112x128xf32, #tpu.memory_space<vmem_shared>>) attributes {dimension_semantics = [#tpu.dimension_semantics<core_parallel>, #tpu.dimension_semantics<subcore_parallel>], iteration_bounds = array<i64: 2, 16>, scalar_prefetch = 0 : i64, scratch_operands = 10 : i64, tpu.core_type = #tpu.core_type<sc_vector_subcore>, window_params = [{transform_indices = #map}, {transform_indices = #map}, {transform_indices = #map}, {transform_indices = #map}]} {
    %mul3A = arith.constant 632 : i32
    %mul3A_0 = arith.muli %arg1, %mul3A : i32
    %mul3A_1 = arith.constant 10112 : i32
    %mul3A_2 = arith.muli %arg0, %mul3A_1 : i32
    %add3A = arith.addi %mul3A_2, %mul3A_0 : i32
    %dma_start3A = arith.constant 0 : i32
    %dma_start3A_3 = tpu.memref_slice %arg15[%mul3A_0, %dma_start3A] : memref<10112x128xf32, #tpu.memory_space<vmem_shared>> -> memref<632x128xf32, #tpu.memory_space<vmem_shared>>
    %dma_start3A_4 = arith.constant 0 : i32
    %dma_start3A_5 = tpu.memref_slice %arg2[%add3A, %dma_start3A_4] : memref<20224x128xf32, #tpu.memory_space<hbm>> -> memref<632x128xf32, #tpu.memory_space<hbm>>
    tpu.enqueue_dma source(%dma_start3A_5 : memref<632x128xf32, #tpu.memory_space<hbm>>) target(%dma_start3A_3 : memref<632x128xf32, #tpu.memory_space<vmem_shared>>) target_semaphore(%arg14 : memref<!tpu.dma_semaphore, #tpu.memory_space<semaphore_mem>>)
    %mul3A_6 = arith.constant 16 : i32
    %mul3A_7 = arith.muli %arg0, %mul3A_6 : i32
    %add3A_8 = arith.addi %mul3A_7, %arg1 : i32
    %mul3A_9 = arith.constant 80 : i32
    %mul3A_10 = arith.muli %add3A_8, %mul3A_9 : i32
    %add3A_11 = arith.constant 0 : i32
    %add3A_12 = arith.addi %mul3A_10, %add3A_11 : i32
    "tpu.region"() ({
      %run_scoped3A = tpu.sem_alloc : memref<!tpu.dma_semaphore, #tpu.memory_space<semaphore_mem>>
      %dma_start3A_91 = arith.constant 0 : i32
      %dma_start3A_92 = tpu.memref_slice %arg3[%add3A_12, %dma_start3A_91] : memref<2560x128xi32, #tpu.memory_space<hbm>> -> memref<40x128xi32, #tpu.memory_space<hbm>>
      %dma_start3A_93 = arith.constant 0 : i32
      %dma_start3A_94 = tpu.memref_slice %arg3[%add3A_12, %dma_start3A_93] : memref<2560x128xi32, #tpu.memory_space<hbm>> -> memref<40x128xi32, #tpu.memory_space<hbm>>
      tpu.enqueue_dma source(%dma_start3A_94 : memref<40x128xi32, #tpu.memory_space<hbm>>) target(%arg6 : memref<40x128xi32, #tpu.memory_space<vmem>>) target_semaphore(%run_scoped3A : memref<!tpu.dma_semaphore, #tpu.memory_space<semaphore_mem>>)
      %dma_wait3A_95 = arith.constant 0 : i32
      %dma_wait3A_96 = tpu.memref_slice %arg3[%add3A_12, %dma_wait3A_95] : memref<2560x128xi32, #tpu.memory_space<hbm>> -> memref<40x128xi32, #tpu.memory_space<hbm>>
      %dma_wait3A_97 = arith.constant 0 : i32
      %dma_wait3A_98 = tpu.memref_slice %arg3[%add3A_12, %dma_wait3A_97] : memref<2560x128xi32, #tpu.memory_space<hbm>> -> memref<40x128xi32, #tpu.memory_space<hbm>>
      tpu.wait_dma2 semaphore(%run_scoped3A : memref<!tpu.dma_semaphore, #tpu.memory_space<semaphore_mem>>) src(%dma_wait3A_98 : memref<40x128xi32, #tpu.memory_space<hbm>>) dst(%arg6 : memref<40x128xi32, #tpu.memory_space<vmem>>)
      tpu.yield
    }) : () -> ()
    %mul3A_13 = arith.constant 80 : i32
    %mul3A_14 = arith.muli %arg1, %mul3A_13 : i32
    %add3A_15 = arith.constant 0 : i32
    %add3A_16 = arith.addi %mul3A_14, %add3A_15 : i32
    "tpu.region"() ({
      %run_scoped3A = tpu.sem_alloc : memref<!tpu.dma_semaphore, #tpu.memory_space<semaphore_mem>>
      %dma_start3A_91 = arith.constant 0 : i32
      %dma_start3A_92 = tpu.memref_slice %arg4[%add3A_16, %dma_start3A_91] : memref<1280x128xi32, #tpu.memory_space<hbm>> -> memref<40x128xi32, #tpu.memory_space<hbm>>
      %dma_start3A_93 = arith.constant 0 : i32
      %dma_start3A_94 = tpu.memref_slice %arg4[%add3A_16, %dma_start3A_93] : memref<1280x128xi32, #tpu.memory_space<hbm>> -> memref<40x128xi32, #tpu.memory_space<hbm>>
      tpu.enqueue_dma source(%dma_start3A_94 : memref<40x128xi32, #tpu.memory_space<hbm>>) target(%arg7 : memref<40x128xi32, #tpu.memory_space<vmem>>) target_semaphore(%run_scoped3A : memref<!tpu.dma_semaphore, #tpu.memory_space<semaphore_mem>>)
      %dma_wait3A_95 = arith.constant 0 : i32
      %dma_wait3A_96 = tpu.memref_slice %arg4[%add3A_16, %dma_wait3A_95] : memref<1280x128xi32, #tpu.memory_space<hbm>> -> memref<40x128xi32, #tpu.memory_space<hbm>>
      %dma_wait3A_97 = arith.constant 0 : i32
      %dma_wait3A_98 = tpu.memref_slice %arg4[%add3A_16, %dma_wait3A_97] : memref<1280x128xi32, #tpu.memory_space<hbm>> -> memref<40x128xi32, #tpu.memory_space<hbm>>
      tpu.wait_dma2 semaphore(%run_scoped3A : memref<!tpu.dma_semaphore, #tpu.memory_space<semaphore_mem>>) src(%dma_wait3A_98 : memref<40x128xi32, #tpu.memory_space<hbm>>) dst(%arg7 : memref<40x128xi32, #tpu.memory_space<vmem>>)
      tpu.yield
    }) : () -> ()
    %dma_start3A_17 = arith.constant 0 : i32
    %dma_start3A_18 = arith.constant 0 : i32
    %dma_start3A_19 = tpu.memref_slice %arg6[%dma_start3A_17, %dma_start3A_18] : memref<40x128xi32, #tpu.memory_space<vmem>> -> memref<1x128xi32, #tpu.memory_space<vmem>>
    %dma_start3A_20 = tpu.memref_squeeze %dma_start3A_19 : memref<1x128xi32, #tpu.memory_space<vmem>> -> memref<128xi32, #tpu.memory_space<vmem>>
    %dma_start3A_21 = arith.constant 0 : i32
    %dma_start3A_22 = arith.constant 0 : i32
    %dma_start3A_23 = tpu.memref_slice %arg2[%dma_start3A_21, %dma_start3A_22] : memref<20224x128xf32, #tpu.memory_space<hbm>> -> memref<20224x128xf32, #tpu.memory_space<hbm>>
    tpu.enqueue_indirect_dma source(%dma_start3A_23 : memref<20224x128xf32, #tpu.memory_space<hbm>>) target(%arg8 : memref<128x128xf32, #tpu.memory_space<vmem>>) offsets(%dma_start3A_20 : memref<128xi32, #tpu.memory_space<vmem>>) semaphore(%arg10 : memref<!tpu.dma_semaphore, #tpu.memory_space<semaphore_mem>>)
    %mul3A_24 = arith.constant 10112 : i32
    %mul3A_25 = arith.muli %arg0, %mul3A_24 : i32
    %add3A_26 = arith.addi %mul3A_25, %mul3A_0 : i32
    %dma_wait3A = arith.constant 0 : i32
    %dma_wait3A_27 = tpu.memref_slice %arg15[%mul3A_0, %dma_wait3A] : memref<10112x128xf32, #tpu.memory_space<vmem_shared>> -> memref<632x128xf32, #tpu.memory_space<vmem_shared>>
    %dma_wait3A_28 = arith.constant 0 : i32
    %dma_wait3A_29 = tpu.memref_slice %arg2[%add3A_26, %dma_wait3A_28] : memref<20224x128xf32, #tpu.memory_space<hbm>> -> memref<632x128xf32, #tpu.memory_space<hbm>>
    tpu.wait_dma2 semaphore(%arg14 : memref<!tpu.dma_semaphore, #tpu.memory_space<semaphore_mem>>) src(%dma_wait3A_29 : memref<632x128xf32, #tpu.memory_space<hbm>>) dst(%dma_wait3A_27 : memref<632x128xf32, #tpu.memory_space<vmem_shared>>)
    %barrier3A = arith.constant 0 : index
    tpu.barrier barrier_id(%barrier3A)
    %scan3A = arith.constant 0 : i32
    %scan3A_30 = arith.constant 0 : i32
    %scan3A_31 = arith.constant 20 : i32
    %scan3A_32 = arith.addi %scan3A_30, %scan3A_31 : i32
    %scan3A_33 = arith.constant 1 : i32
    scf.for %scan3A_91 = %scan3A_30 to %scan3A_32 step %scan3A_33  : i32 {
      %mul3A_92 = arith.constant 2 : i32
      %mul3A_93 = arith.muli %scan3A_91, %mul3A_92 : i32
      %add3A_94 = arith.constant 0 : i32
      %add3A_95 = arith.addi %mul3A_93, %add3A_94 : i32
      %dma_wait3A_96 = arith.constant 0 : i32
      %dma_wait3A_97 = tpu.memref_slice %arg6[%add3A_95, %dma_wait3A_96] : memref<40x128xi32, #tpu.memory_space<vmem>> -> memref<1x128xi32, #tpu.memory_space<vmem>>
      %dma_wait3A_98 = tpu.memref_squeeze %dma_wait3A_97 : memref<1x128xi32, #tpu.memory_space<vmem>> -> memref<128xi32, #tpu.memory_space<vmem>>
      %dma_wait3A_99 = arith.constant 0 : i32
      %dma_wait3A_100 = arith.constant 0 : i32
      %dma_wait3A_101 = tpu.memref_slice %arg2[%dma_wait3A_99, %dma_wait3A_100] : memref<20224x128xf32, #tpu.memory_space<hbm>> -> memref<20224x128xf32, #tpu.memory_space<hbm>>
      tpu.wait_indirect_dma semaphore(%arg10 : memref<!tpu.dma_semaphore, #tpu.memory_space<semaphore_mem>>) src(%dma_wait3A_101 : memref<20224x128xf32, #tpu.memory_space<hbm>>) dst(%arg8 : memref<128x128xf32, #tpu.memory_space<vmem>>)
      %dma_start3A_102 = arith.constant 0 : i32
      %dma_start3A_103 = tpu.memref_slice %arg7[%add3A_95, %dma_start3A_102] : memref<40x128xi32, #tpu.memory_space<vmem>> -> memref<1x128xi32, #tpu.memory_space<vmem>>
      %dma_start3A_104 = tpu.memref_squeeze %dma_start3A_103 : memref<1x128xi32, #tpu.memory_space<vmem>> -> memref<128xi32, #tpu.memory_space<vmem>>
      %dma_start3A_105 = arith.constant 0 : i32
      %dma_start3A_106 = arith.constant 0 : i32
      %dma_start3A_107 = tpu.memref_slice %arg15[%dma_start3A_105, %dma_start3A_106] : memref<10112x128xf32, #tpu.memory_space<vmem_shared>> -> memref<10112x128xf32, #tpu.memory_space<vmem_shared>>
      tpu.enqueue_indirect_dma source(%arg8 : memref<128x128xf32, #tpu.memory_space<vmem>>) target(%dma_start3A_107 : memref<10112x128xf32, #tpu.memory_space<vmem_shared>>) offsets(%dma_start3A_104 : memref<128xi32, #tpu.memory_space<vmem>>) semaphore(%arg12 : memref<!tpu.dma_semaphore, #tpu.memory_space<semaphore_mem>>) {add = true}
      %add3A_108 = arith.constant 1 : i32
      %add3A_109 = arith.addi %add3A_95, %add3A_108 : i32
      %lt3A = arith.constant 40 : i32
      %lt3A_110 = arith.cmpi slt, %add3A_109, %lt3A : i32
      %convert_element_type3A = arith.extui %lt3A_110 : i1 to i32
      %cond3A = arith.constant 0 : i32
      %cond3A_111 = arith.cmpi ne, %convert_element_type3A, %cond3A : i32
      scf.if %cond3A_111 {
        %ge3A = arith.constant 1 : i32
        %ge3A_135 = arith.cmpi sge, %add3A_95, %ge3A : i32
        %convert_element_type3A_136 = arith.extui %ge3A_135 : i1 to i32
        %cond3A_137 = arith.constant 0 : i32
        %cond3A_138 = arith.cmpi ne, %convert_element_type3A_136, %cond3A_137 : i32
        scf.if %cond3A_138 {
          %dma_wait3A_145 = arith.constant 0 : i32
          %dma_wait3A_146 = tpu.memref_slice %arg7[%add3A_95, %dma_wait3A_145] : memref<40x128xi32, #tpu.memory_space<vmem>> -> memref<1x128xi32, #tpu.memory_space<vmem>>
          %dma_wait3A_147 = tpu.memref_squeeze %dma_wait3A_146 : memref<1x128xi32, #tpu.memory_space<vmem>> -> memref<128xi32, #tpu.memory_space<vmem>>
          %dma_wait3A_148 = arith.constant 0 : i32
          %dma_wait3A_149 = arith.constant 0 : i32
          %dma_wait3A_150 = tpu.memref_slice %arg15[%dma_wait3A_148, %dma_wait3A_149] : memref<10112x128xf32, #tpu.memory_space<vmem_shared>> -> memref<10112x128xf32, #tpu.memory_space<vmem_shared>>
          tpu.wait_indirect_dma semaphore(%arg13 : memref<!tpu.dma_semaphore, #tpu.memory_space<semaphore_mem>>) src(%arg9 : memref<128x128xf32, #tpu.memory_space<vmem>>) dst(%dma_wait3A_150 : memref<10112x128xf32, #tpu.memory_space<vmem_shared>>)
        } else {
        }
        %dma_start3A_139 = arith.constant 0 : i32
        %dma_start3A_140 = tpu.memref_slice %arg6[%add3A_109, %dma_start3A_139] : memref<40x128xi32, #tpu.memory_space<vmem>> -> memref<1x128xi32, #tpu.memory_space<vmem>>
        %dma_start3A_141 = tpu.memref_squeeze %dma_start3A_140 : memref<1x128xi32, #tpu.memory_space<vmem>> -> memref<128xi32, #tpu.memory_space<vmem>>
        %dma_start3A_142 = arith.constant 0 : i32
        %dma_start3A_143 = arith.constant 0 : i32
        %dma_start3A_144 = tpu.memref_slice %arg2[%dma_start3A_142, %dma_start3A_143] : memref<20224x128xf32, #tpu.memory_space<hbm>> -> memref<20224x128xf32, #tpu.memory_space<hbm>>
        tpu.enqueue_indirect_dma source(%dma_start3A_144 : memref<20224x128xf32, #tpu.memory_space<hbm>>) target(%arg9 : memref<128x128xf32, #tpu.memory_space<vmem>>) offsets(%dma_start3A_141 : memref<128xi32, #tpu.memory_space<vmem>>) semaphore(%arg11 : memref<!tpu.dma_semaphore, #tpu.memory_space<semaphore_mem>>)
      } else {
      }
      %mul3A_112 = arith.constant 2 : i32
      %mul3A_113 = arith.muli %scan3A_91, %mul3A_112 : i32
      %add3A_114 = arith.constant 1 : i32
      %add3A_115 = arith.addi %mul3A_113, %add3A_114 : i32
      %dma_wait3A_116 = arith.constant 0 : i32
      %dma_wait3A_117 = tpu.memref_slice %arg6[%add3A_115, %dma_wait3A_116] : memref<40x128xi32, #tpu.memory_space<vmem>> -> memref<1x128xi32, #tpu.memory_space<vmem>>
      %dma_wait3A_118 = tpu.memref_squeeze %dma_wait3A_117 : memref<1x128xi32, #tpu.memory_space<vmem>> -> memref<128xi32, #tpu.memory_space<vmem>>
      %dma_wait3A_119 = arith.constant 0 : i32
      %dma_wait3A_120 = arith.constant 0 : i32
      %dma_wait3A_121 = tpu.memref_slice %arg2[%dma_wait3A_119, %dma_wait3A_120] : memref<20224x128xf32, #tpu.memory_space<hbm>> -> memref<20224x128xf32, #tpu.memory_space<hbm>>
      tpu.wait_indirect_dma semaphore(%arg11 : memref<!tpu.dma_semaphore, #tpu.memory_space<semaphore_mem>>) src(%dma_wait3A_121 : memref<20224x128xf32, #tpu.memory_space<hbm>>) dst(%arg9 : memref<128x128xf32, #tpu.memory_space<vmem>>)
      %dma_start3A_122 = arith.constant 0 : i32
      %dma_start3A_123 = tpu.memref_slice %arg7[%add3A_115, %dma_start3A_122] : memref<40x128xi32, #tpu.memory_space<vmem>> -> memref<1x128xi32, #tpu.memory_space<vmem>>
      %dma_start3A_124 = tpu.memref_squeeze %dma_start3A_123 : memref<1x128xi32, #tpu.memory_space<vmem>> -> memref<128xi32, #tpu.memory_space<vmem>>
      %dma_start3A_125 = arith.constant 0 : i32
      %dma_start3A_126 = arith.constant 0 : i32
      %dma_start3A_127 = tpu.memref_slice %arg15[%dma_start3A_125, %dma_start3A_126] : memref<10112x128xf32, #tpu.memory_space<vmem_shared>> -> memref<10112x128xf32, #tpu.memory_space<vmem_shared>>
      tpu.enqueue_indirect_dma source(%arg9 : memref<128x128xf32, #tpu.memory_space<vmem>>) target(%dma_start3A_127 : memref<10112x128xf32, #tpu.memory_space<vmem_shared>>) offsets(%dma_start3A_124 : memref<128xi32, #tpu.memory_space<vmem>>) semaphore(%arg13 : memref<!tpu.dma_semaphore, #tpu.memory_space<semaphore_mem>>) {add = true}
      %add3A_128 = arith.constant 1 : i32
      %add3A_129 = arith.addi %add3A_115, %add3A_128 : i32
      %lt3A_130 = arith.constant 40 : i32
      %lt3A_131 = arith.cmpi slt, %add3A_129, %lt3A_130 : i32
      %convert_element_type3A_132 = arith.extui %lt3A_131 : i1 to i32
      %cond3A_133 = arith.constant 0 : i32
      %cond3A_134 = arith.cmpi ne, %convert_element_type3A_132, %cond3A_133 : i32
      scf.if %cond3A_134 {
        %ge3A = arith.constant 1 : i32
        %ge3A_135 = arith.cmpi sge, %add3A_115, %ge3A : i32
        %convert_element_type3A_136 = arith.extui %ge3A_135 : i1 to i32
        %cond3A_137 = arith.constant 0 : i32
        %cond3A_138 = arith.cmpi ne, %convert_element_type3A_136, %cond3A_137 : i32
        scf.if %cond3A_138 {
          %dma_wait3A_145 = arith.constant 0 : i32
          %dma_wait3A_146 = tpu.memref_slice %arg7[%add3A_115, %dma_wait3A_145] : memref<40x128xi32, #tpu.memory_space<vmem>> -> memref<1x128xi32, #tpu.memory_space<vmem>>
          %dma_wait3A_147 = tpu.memref_squeeze %dma_wait3A_146 : memref<1x128xi32, #tpu.memory_space<vmem>> -> memref<128xi32, #tpu.memory_space<vmem>>
          %dma_wait3A_148 = arith.constant 0 : i32
          %dma_wait3A_149 = arith.constant 0 : i32
          %dma_wait3A_150 = tpu.memref_slice %arg15[%dma_wait3A_148, %dma_wait3A_149] : memref<10112x128xf32, #tpu.memory_space<vmem_shared>> -> memref<10112x128xf32, #tpu.memory_space<vmem_shared>>
          tpu.wait_indirect_dma semaphore(%arg12 : memref<!tpu.dma_semaphore, #tpu.memory_space<semaphore_mem>>) src(%arg8 : memref<128x128xf32, #tpu.memory_space<vmem>>) dst(%dma_wait3A_150 : memref<10112x128xf32, #tpu.memory_space<vmem_shared>>)
        } else {
        }
        %dma_start3A_139 = arith.constant 0 : i32
        %dma_start3A_140 = tpu.memref_slice %arg6[%add3A_129, %dma_start3A_139] : memref<40x128xi32, #tpu.memory_space<vmem>> -> memref<1x128xi32, #tpu.memory_space<vmem>>
        %dma_start3A_141 = tpu.memref_squeeze %dma_start3A_140 : memref<1x128xi32, #tpu.memory_space<vmem>> -> memref<128xi32, #tpu.memory_space<vmem>>
        %dma_start3A_142 = arith.constant 0 : i32
        %dma_start3A_143 = arith.constant 0 : i32
        %dma_start3A_144 = tpu.memref_slice %arg2[%dma_start3A_142, %dma_start3A_143] : memref<20224x128xf32, #tpu.memory_space<hbm>> -> memref<20224x128xf32, #tpu.memory_space<hbm>>
        tpu.enqueue_indirect_dma source(%dma_start3A_144 : memref<20224x128xf32, #tpu.memory_space<hbm>>) target(%arg8 : memref<128x128xf32, #tpu.memory_space<vmem>>) offsets(%dma_start3A_141 : memref<128xi32, #tpu.memory_space<vmem>>) semaphore(%arg10 : memref<!tpu.dma_semaphore, #tpu.memory_space<semaphore_mem>>)
      } else {
      }
    }
    %scan3A_34 = arith.constant 20 : i32
    %dma_wait3A_35 = arith.constant 0 : i32
    %dma_wait3A_36 = arith.constant 0 : i32
    %dma_wait3A_37 = tpu.memref_slice %arg7[%dma_wait3A_35, %dma_wait3A_36] : memref<40x128xi32, #tpu.memory_space<vmem>> -> memref<1x128xi32, #tpu.memory_space<vmem>>
    %dma_wait3A_38 = tpu.memref_squeeze %dma_wait3A_37 : memref<1x128xi32, #tpu.memory_space<vmem>> -> memref<128xi32, #tpu.memory_space<vmem>>
    %dma_wait3A_39 = arith.constant 0 : i32
    %dma_wait3A_40 = arith.constant 0 : i32
    %dma_wait3A_41 = tpu.memref_slice %arg15[%dma_wait3A_39, %dma_wait3A_40] : memref<10112x128xf32, #tpu.memory_space<vmem_shared>> -> memref<10112x128xf32, #tpu.memory_space<vmem_shared>>
    tpu.wait_indirect_dma semaphore(%arg12 : memref<!tpu.dma_semaphore, #tpu.memory_space<semaphore_mem>>) src(%arg8 : memref<128x128xf32, #tpu.memory_space<vmem>>) dst(%dma_wait3A_41 : memref<10112x128xf32, #tpu.memory_space<vmem_shared>>)
    %dma_wait3A_42 = arith.constant 1 : i32
    %dma_wait3A_43 = arith.constant 0 : i32
    %dma_wait3A_44 = tpu.memref_slice %arg7[%dma_wait3A_42, %dma_wait3A_43] : memref<40x128xi32, #tpu.memory_space<vmem>> -> memref<1x128xi32, #tpu.memory_space<vmem>>
    %dma_wait3A_45 = tpu.memref_squeeze %dma_wait3A_44 : memref<1x128xi32, #tpu.memory_space<vmem>> -> memref<128xi32, #tpu.memory_space<vmem>>
    %dma_wait3A_46 = arith.constant 0 : i32
    %dma_wait3A_47 = arith.constant 0 : i32
    %dma_wait3A_48 = tpu.memref_slice %arg15[%dma_wait3A_46, %dma_wait3A_47] : memref<10112x128xf32, #tpu.memory_space<vmem_shared>> -> memref<10112x128xf32, #tpu.memory_space<vmem_shared>>
    tpu.wait_indirect_dma semaphore(%arg13 : memref<!tpu.dma_semaphore, #tpu.memory_space<semaphore_mem>>) src(%arg9 : memref<128x128xf32, #tpu.memory_space<vmem>>) dst(%dma_wait3A_48 : memref<10112x128xf32, #tpu.memory_space<vmem_shared>>)
    %mul3A_49 = arith.constant 16 : i32
    %mul3A_50 = arith.muli %arg0, %mul3A_49 : i32
    %add3A_51 = arith.addi %mul3A_50, %arg1 : i32
    %mul3A_52 = arith.constant 80 : i32
    %mul3A_53 = arith.muli %add3A_51, %mul3A_52 : i32
    %add3A_54 = arith.constant 40 : i32
    %add3A_55 = arith.addi %mul3A_53, %add3A_54 : i32
    "tpu.region"() ({
      %run_scoped3A = tpu.sem_alloc : memref<!tpu.dma_semaphore, #tpu.memory_space<semaphore_mem>>
      %dma_start3A_91 = arith.constant 0 : i32
      %dma_start3A_92 = tpu.memref_slice %arg3[%add3A_55, %dma_start3A_91] : memref<2560x128xi32, #tpu.memory_space<hbm>> -> memref<40x128xi32, #tpu.memory_space<hbm>>
      %dma_start3A_93 = arith.constant 0 : i32
      %dma_start3A_94 = tpu.memref_slice %arg3[%add3A_55, %dma_start3A_93] : memref<2560x128xi32, #tpu.memory_space<hbm>> -> memref<40x128xi32, #tpu.memory_space<hbm>>
      tpu.enqueue_dma source(%dma_start3A_94 : memref<40x128xi32, #tpu.memory_space<hbm>>) target(%arg6 : memref<40x128xi32, #tpu.memory_space<vmem>>) target_semaphore(%run_scoped3A : memref<!tpu.dma_semaphore, #tpu.memory_space<semaphore_mem>>)
      %dma_wait3A_95 = arith.constant 0 : i32
      %dma_wait3A_96 = tpu.memref_slice %arg3[%add3A_55, %dma_wait3A_95] : memref<2560x128xi32, #tpu.memory_space<hbm>> -> memref<40x128xi32, #tpu.memory_space<hbm>>
      %dma_wait3A_97 = arith.constant 0 : i32
      %dma_wait3A_98 = tpu.memref_slice %arg3[%add3A_55, %dma_wait3A_97] : memref<2560x128xi32, #tpu.memory_space<hbm>> -> memref<40x128xi32, #tpu.memory_space<hbm>>
      tpu.wait_dma2 semaphore(%run_scoped3A : memref<!tpu.dma_semaphore, #tpu.memory_space<semaphore_mem>>) src(%dma_wait3A_98 : memref<40x128xi32, #tpu.memory_space<hbm>>) dst(%arg6 : memref<40x128xi32, #tpu.memory_space<vmem>>)
      tpu.yield
    }) : () -> ()
    %mul3A_56 = arith.constant 80 : i32
    %mul3A_57 = arith.muli %arg1, %mul3A_56 : i32
    %add3A_58 = arith.constant 40 : i32
    %add3A_59 = arith.addi %mul3A_57, %add3A_58 : i32
    "tpu.region"() ({
      %run_scoped3A = tpu.sem_alloc : memref<!tpu.dma_semaphore, #tpu.memory_space<semaphore_mem>>
      %dma_start3A_91 = arith.constant 0 : i32
      %dma_start3A_92 = tpu.memref_slice %arg4[%add3A_59, %dma_start3A_91] : memref<1280x128xi32, #tpu.memory_space<hbm>> -> memref<40x128xi32, #tpu.memory_space<hbm>>
      %dma_start3A_93 = arith.constant 0 : i32
      %dma_start3A_94 = tpu.memref_slice %arg4[%add3A_59, %dma_start3A_93] : memref<1280x128xi32, #tpu.memory_space<hbm>> -> memref<40x128xi32, #tpu.memory_space<hbm>>
      tpu.enqueue_dma source(%dma_start3A_94 : memref<40x128xi32, #tpu.memory_space<hbm>>) target(%arg7 : memref<40x128xi32, #tpu.memory_space<vmem>>) target_semaphore(%run_scoped3A : memref<!tpu.dma_semaphore, #tpu.memory_space<semaphore_mem>>)
      %dma_wait3A_95 = arith.constant 0 : i32
      %dma_wait3A_96 = tpu.memref_slice %arg4[%add3A_59, %dma_wait3A_95] : memref<1280x128xi32, #tpu.memory_space<hbm>> -> memref<40x128xi32, #tpu.memory_space<hbm>>
      %dma_wait3A_97 = arith.constant 0 : i32
      %dma_wait3A_98 = tpu.memref_slice %arg4[%add3A_59, %dma_wait3A_97] : memref<1280x128xi32, #tpu.memory_space<hbm>> -> memref<40x128xi32, #tpu.memory_space<hbm>>
      tpu.wait_dma2 semaphore(%run_scoped3A : memref<!tpu.dma_semaphore, #tpu.memory_space<semaphore_mem>>) src(%dma_wait3A_98 : memref<40x128xi32, #tpu.memory_space<hbm>>) dst(%arg7 : memref<40x128xi32, #tpu.memory_space<vmem>>)
      tpu.yield
    }) : () -> ()
    %dma_start3A_60 = arith.constant 0 : i32
    %dma_start3A_61 = arith.constant 0 : i32
    %dma_start3A_62 = tpu.memref_slice %arg6[%dma_start3A_60, %dma_start3A_61] : memref<40x128xi32, #tpu.memory_space<vmem>> -> memref<1x128xi32, #tpu.memory_space<vmem>>
    %dma_start3A_63 = tpu.memref_squeeze %dma_start3A_62 : memref<1x128xi32, #tpu.memory_space<vmem>> -> memref<128xi32, #tpu.memory_space<vmem>>
    %dma_start3A_64 = arith.constant 0 : i32
    %dma_start3A_65 = arith.constant 0 : i32
    %dma_start3A_66 = tpu.memref_slice %arg2[%dma_start3A_64, %dma_start3A_65] : memref<20224x128xf32, #tpu.memory_space<hbm>> -> memref<20224x128xf32, #tpu.memory_space<hbm>>
    tpu.enqueue_indirect_dma source(%dma_start3A_66 : memref<20224x128xf32, #tpu.memory_space<hbm>>) target(%arg8 : memref<128x128xf32, #tpu.memory_space<vmem>>) offsets(%dma_start3A_63 : memref<128xi32, #tpu.memory_space<vmem>>) semaphore(%arg10 : memref<!tpu.dma_semaphore, #tpu.memory_space<semaphore_mem>>)
    %scan3A_67 = arith.constant 0 : i32
    %scan3A_68 = arith.constant 0 : i32
    %scan3A_69 = arith.constant 20 : i32
    %scan3A_70 = arith.addi %scan3A_68, %scan3A_69 : i32
    %scan3A_71 = arith.constant 1 : i32
    scf.for %scan3A_91 = %scan3A_68 to %scan3A_70 step %scan3A_71  : i32 {
      %mul3A_92 = arith.constant 2 : i32
      %mul3A_93 = arith.muli %scan3A_91, %mul3A_92 : i32
      %add3A_94 = arith.constant 0 : i32
      %add3A_95 = arith.addi %mul3A_93, %add3A_94 : i32
      %dma_wait3A_96 = arith.constant 0 : i32
      %dma_wait3A_97 = tpu.memref_slice %arg6[%add3A_95, %dma_wait3A_96] : memref<40x128xi32, #tpu.memory_space<vmem>> -> memref<1x128xi32, #tpu.memory_space<vmem>>
      %dma_wait3A_98 = tpu.memref_squeeze %dma_wait3A_97 : memref<1x128xi32, #tpu.memory_space<vmem>> -> memref<128xi32, #tpu.memory_space<vmem>>
      %dma_wait3A_99 = arith.constant 0 : i32
      %dma_wait3A_100 = arith.constant 0 : i32
      %dma_wait3A_101 = tpu.memref_slice %arg2[%dma_wait3A_99, %dma_wait3A_100] : memref<20224x128xf32, #tpu.memory_space<hbm>> -> memref<20224x128xf32, #tpu.memory_space<hbm>>
      tpu.wait_indirect_dma semaphore(%arg10 : memref<!tpu.dma_semaphore, #tpu.memory_space<semaphore_mem>>) src(%dma_wait3A_101 : memref<20224x128xf32, #tpu.memory_space<hbm>>) dst(%arg8 : memref<128x128xf32, #tpu.memory_space<vmem>>)
      %dma_start3A_102 = arith.constant 0 : i32
      %dma_start3A_103 = tpu.memref_slice %arg7[%add3A_95, %dma_start3A_102] : memref<40x128xi32, #tpu.memory_space<vmem>> -> memref<1x128xi32, #tpu.memory_space<vmem>>
      %dma_start3A_104 = tpu.memref_squeeze %dma_start3A_103 : memref<1x128xi32, #tpu.memory_space<vmem>> -> memref<128xi32, #tpu.memory_space<vmem>>
      %dma_start3A_105 = arith.constant 0 : i32
      %dma_start3A_106 = arith.constant 0 : i32
      %dma_start3A_107 = tpu.memref_slice %arg15[%dma_start3A_105, %dma_start3A_106] : memref<10112x128xf32, #tpu.memory_space<vmem_shared>> -> memref<10112x128xf32, #tpu.memory_space<vmem_shared>>
      tpu.enqueue_indirect_dma source(%arg8 : memref<128x128xf32, #tpu.memory_space<vmem>>) target(%dma_start3A_107 : memref<10112x128xf32, #tpu.memory_space<vmem_shared>>) offsets(%dma_start3A_104 : memref<128xi32, #tpu.memory_space<vmem>>) semaphore(%arg12 : memref<!tpu.dma_semaphore, #tpu.memory_space<semaphore_mem>>) {add = true}
      %add3A_108 = arith.constant 1 : i32
      %add3A_109 = arith.addi %add3A_95, %add3A_108 : i32
      %lt3A = arith.constant 40 : i32
      %lt3A_110 = arith.cmpi slt, %add3A_109, %lt3A : i32
      %convert_element_type3A = arith.extui %lt3A_110 : i1 to i32
      %cond3A = arith.constant 0 : i32
      %cond3A_111 = arith.cmpi ne, %convert_element_type3A, %cond3A : i32
      scf.if %cond3A_111 {
        %ge3A = arith.constant 1 : i32
        %ge3A_135 = arith.cmpi sge, %add3A_95, %ge3A : i32
        %convert_element_type3A_136 = arith.extui %ge3A_135 : i1 to i32
        %cond3A_137 = arith.constant 0 : i32
        %cond3A_138 = arith.cmpi ne, %convert_element_type3A_136, %cond3A_137 : i32
        scf.if %cond3A_138 {
          %dma_wait3A_145 = arith.constant 0 : i32
          %dma_wait3A_146 = tpu.memref_slice %arg7[%add3A_95, %dma_wait3A_145] : memref<40x128xi32, #tpu.memory_space<vmem>> -> memref<1x128xi32, #tpu.memory_space<vmem>>
          %dma_wait3A_147 = tpu.memref_squeeze %dma_wait3A_146 : memref<1x128xi32, #tpu.memory_space<vmem>> -> memref<128xi32, #tpu.memory_space<vmem>>
          %dma_wait3A_148 = arith.constant 0 : i32
          %dma_wait3A_149 = arith.constant 0 : i32
          %dma_wait3A_150 = tpu.memref_slice %arg15[%dma_wait3A_148, %dma_wait3A_149] : memref<10112x128xf32, #tpu.memory_space<vmem_shared>> -> memref<10112x128xf32, #tpu.memory_space<vmem_shared>>
          tpu.wait_indirect_dma semaphore(%arg13 : memref<!tpu.dma_semaphore, #tpu.memory_space<semaphore_mem>>) src(%arg9 : memref<128x128xf32, #tpu.memory_space<vmem>>) dst(%dma_wait3A_150 : memref<10112x128xf32, #tpu.memory_space<vmem_shared>>)
        } else {
        }
        %dma_start3A_139 = arith.constant 0 : i32
        %dma_start3A_140 = tpu.memref_slice %arg6[%add3A_109, %dma_start3A_139] : memref<40x128xi32, #tpu.memory_space<vmem>> -> memref<1x128xi32, #tpu.memory_space<vmem>>
        %dma_start3A_141 = tpu.memref_squeeze %dma_start3A_140 : memref<1x128xi32, #tpu.memory_space<vmem>> -> memref<128xi32, #tpu.memory_space<vmem>>
        %dma_start3A_142 = arith.constant 0 : i32
        %dma_start3A_143 = arith.constant 0 : i32
        %dma_start3A_144 = tpu.memref_slice %arg2[%dma_start3A_142, %dma_start3A_143] : memref<20224x128xf32, #tpu.memory_space<hbm>> -> memref<20224x128xf32, #tpu.memory_space<hbm>>
        tpu.enqueue_indirect_dma source(%dma_start3A_144 : memref<20224x128xf32, #tpu.memory_space<hbm>>) target(%arg9 : memref<128x128xf32, #tpu.memory_space<vmem>>) offsets(%dma_start3A_141 : memref<128xi32, #tpu.memory_space<vmem>>) semaphore(%arg11 : memref<!tpu.dma_semaphore, #tpu.memory_space<semaphore_mem>>)
      } else {
      }
      %mul3A_112 = arith.constant 2 : i32
      %mul3A_113 = arith.muli %scan3A_91, %mul3A_112 : i32
      %add3A_114 = arith.constant 1 : i32
      %add3A_115 = arith.addi %mul3A_113, %add3A_114 : i32
      %dma_wait3A_116 = arith.constant 0 : i32
      %dma_wait3A_117 = tpu.memref_slice %arg6[%add3A_115, %dma_wait3A_116] : memref<40x128xi32, #tpu.memory_space<vmem>> -> memref<1x128xi32, #tpu.memory_space<vmem>>
      %dma_wait3A_118 = tpu.memref_squeeze %dma_wait3A_117 : memref<1x128xi32, #tpu.memory_space<vmem>> -> memref<128xi32, #tpu.memory_space<vmem>>
      %dma_wait3A_119 = arith.constant 0 : i32
      %dma_wait3A_120 = arith.constant 0 : i32
      %dma_wait3A_121 = tpu.memref_slice %arg2[%dma_wait3A_119, %dma_wait3A_120] : memref<20224x128xf32, #tpu.memory_space<hbm>> -> memref<20224x128xf32, #tpu.memory_space<hbm>>
      tpu.wait_indirect_dma semaphore(%arg11 : memref<!tpu.dma_semaphore, #tpu.memory_space<semaphore_mem>>) src(%dma_wait3A_121 : memref<20224x128xf32, #tpu.memory_space<hbm>>) dst(%arg9 : memref<128x128xf32, #tpu.memory_space<vmem>>)
      %dma_start3A_122 = arith.constant 0 : i32
      %dma_start3A_123 = tpu.memref_slice %arg7[%add3A_115, %dma_start3A_122] : memref<40x128xi32, #tpu.memory_space<vmem>> -> memref<1x128xi32, #tpu.memory_space<vmem>>
      %dma_start3A_124 = tpu.memref_squeeze %dma_start3A_123 : memref<1x128xi32, #tpu.memory_space<vmem>> -> memref<128xi32, #tpu.memory_space<vmem>>
      %dma_start3A_125 = arith.constant 0 : i32
      %dma_start3A_126 = arith.constant 0 : i32
      %dma_start3A_127 = tpu.memref_slice %arg15[%dma_start3A_125, %dma_start3A_126] : memref<10112x128xf32, #tpu.memory_space<vmem_shared>> -> memref<10112x128xf32, #tpu.memory_space<vmem_shared>>
      tpu.enqueue_indirect_dma source(%arg9 : memref<128x128xf32, #tpu.memory_space<vmem>>) target(%dma_start3A_127 : memref<10112x128xf32, #tpu.memory_space<vmem_shared>>) offsets(%dma_start3A_124 : memref<128xi32, #tpu.memory_space<vmem>>) semaphore(%arg13 : memref<!tpu.dma_semaphore, #tpu.memory_space<semaphore_mem>>) {add = true}
      %add3A_128 = arith.constant 1 : i32
      %add3A_129 = arith.addi %add3A_115, %add3A_128 : i32
      %lt3A_130 = arith.constant 40 : i32
      %lt3A_131 = arith.cmpi slt, %add3A_129, %lt3A_130 : i32
      %convert_element_type3A_132 = arith.extui %lt3A_131 : i1 to i32
      %cond3A_133 = arith.constant 0 : i32
      %cond3A_134 = arith.cmpi ne, %convert_element_type3A_132, %cond3A_133 : i32
      scf.if %cond3A_134 {
        %ge3A = arith.constant 1 : i32
        %ge3A_135 = arith.cmpi sge, %add3A_115, %ge3A : i32
        %convert_element_type3A_136 = arith.extui %ge3A_135 : i1 to i32
        %cond3A_137 = arith.constant 0 : i32
        %cond3A_138 = arith.cmpi ne, %convert_element_type3A_136, %cond3A_137 : i32
        scf.if %cond3A_138 {
          %dma_wait3A_145 = arith.constant 0 : i32
          %dma_wait3A_146 = tpu.memref_slice %arg7[%add3A_115, %dma_wait3A_145] : memref<40x128xi32, #tpu.memory_space<vmem>> -> memref<1x128xi32, #tpu.memory_space<vmem>>
          %dma_wait3A_147 = tpu.memref_squeeze %dma_wait3A_146 : memref<1x128xi32, #tpu.memory_space<vmem>> -> memref<128xi32, #tpu.memory_space<vmem>>
          %dma_wait3A_148 = arith.constant 0 : i32
          %dma_wait3A_149 = arith.constant 0 : i32
          %dma_wait3A_150 = tpu.memref_slice %arg15[%dma_wait3A_148, %dma_wait3A_149] : memref<10112x128xf32, #tpu.memory_space<vmem_shared>> -> memref<10112x128xf32, #tpu.memory_space<vmem_shared>>
          tpu.wait_indirect_dma semaphore(%arg12 : memref<!tpu.dma_semaphore, #tpu.memory_space<semaphore_mem>>) src(%arg8 : memref<128x128xf32, #tpu.memory_space<vmem>>) dst(%dma_wait3A_150 : memref<10112x128xf32, #tpu.memory_space<vmem_shared>>)
        } else {
        }
        %dma_start3A_139 = arith.constant 0 : i32
        %dma_start3A_140 = tpu.memref_slice %arg6[%add3A_129, %dma_start3A_139] : memref<40x128xi32, #tpu.memory_space<vmem>> -> memref<1x128xi32, #tpu.memory_space<vmem>>
        %dma_start3A_141 = tpu.memref_squeeze %dma_start3A_140 : memref<1x128xi32, #tpu.memory_space<vmem>> -> memref<128xi32, #tpu.memory_space<vmem>>
        %dma_start3A_142 = arith.constant 0 : i32
        %dma_start3A_143 = arith.constant 0 : i32
        %dma_start3A_144 = tpu.memref_slice %arg2[%dma_start3A_142, %dma_start3A_143] : memref<20224x128xf32, #tpu.memory_space<hbm>> -> memref<20224x128xf32, #tpu.memory_space<hbm>>
        tpu.enqueue_indirect_dma source(%dma_start3A_144 : memref<20224x128xf32, #tpu.memory_space<hbm>>) target(%arg8 : memref<128x128xf32, #tpu.memory_space<vmem>>) offsets(%dma_start3A_141 : memref<128xi32, #tpu.memory_space<vmem>>) semaphore(%arg10 : memref<!tpu.dma_semaphore, #tpu.memory_space<semaphore_mem>>)
      } else {
      }
    }
    %scan3A_72 = arith.constant 20 : i32
    %dma_wait3A_73 = arith.constant 0 : i32
    %dma_wait3A_74 = arith.constant 0 : i32
    %dma_wait3A_75 = tpu.memref_slice %arg7[%dma_wait3A_73, %dma_wait3A_74] : memref<40x128xi32, #tpu.memory_space<vmem>> -> memref<1x128xi32, #tpu.memory_space<vmem>>
    %dma_wait3A_76 = tpu.memref_squeeze %dma_wait3A_75 : memref<1x128xi32, #tpu.memory_space<vmem>> -> memref<128xi32, #tpu.memory_space<vmem>>
    %dma_wait3A_77 = arith.constant 0 : i32
    %dma_wait3A_78 = arith.constant 0 : i32
    %dma_wait3A_79 = tpu.memref_slice %arg15[%dma_wait3A_77, %dma_wait3A_78] : memref<10112x128xf32, #tpu.memory_space<vmem_shared>> -> memref<10112x128xf32, #tpu.memory_space<vmem_shared>>
    tpu.wait_indirect_dma semaphore(%arg12 : memref<!tpu.dma_semaphore, #tpu.memory_space<semaphore_mem>>) src(%arg8 : memref<128x128xf32, #tpu.memory_space<vmem>>) dst(%dma_wait3A_79 : memref<10112x128xf32, #tpu.memory_space<vmem_shared>>)
    %dma_wait3A_80 = arith.constant 1 : i32
    %dma_wait3A_81 = arith.constant 0 : i32
    %dma_wait3A_82 = tpu.memref_slice %arg7[%dma_wait3A_80, %dma_wait3A_81] : memref<40x128xi32, #tpu.memory_space<vmem>> -> memref<1x128xi32, #tpu.memory_space<vmem>>
    %dma_wait3A_83 = tpu.memref_squeeze %dma_wait3A_82 : memref<1x128xi32, #tpu.memory_space<vmem>> -> memref<128xi32, #tpu.memory_space<vmem>>
    %dma_wait3A_84 = arith.constant 0 : i32
    %dma_wait3A_85 = arith.constant 0 : i32
    %dma_wait3A_86 = tpu.memref_slice %arg15[%dma_wait3A_84, %dma_wait3A_85] : memref<10112x128xf32, #tpu.memory_space<vmem_shared>> -> memref<10112x128xf32, #tpu.memory_space<vmem_shared>>
    tpu.wait_indirect_dma semaphore(%arg13 : memref<!tpu.dma_semaphore, #tpu.memory_space<semaphore_mem>>) src(%arg9 : memref<128x128xf32, #tpu.memory_space<vmem>>) dst(%dma_wait3A_86 : memref<10112x128xf32, #tpu.memory_space<vmem_shared>>)
    %barrier3A_87 = arith.constant 0 : index
    tpu.barrier barrier_id(%barrier3A_87)
    %mul3A_88 = arith.constant 10112 : i32
    %mul3A_89 = arith.muli %arg0, %mul3A_88 : i32
    %add3A_90 = arith.addi %mul3A_89, %mul3A_0 : i32
    "tpu.region"() ({
      %run_scoped3A = tpu.sem_alloc : memref<!tpu.dma_semaphore, #tpu.memory_space<semaphore_mem>>
      %dma_start3A_91 = arith.constant 0 : i32
      %dma_start3A_92 = tpu.memref_slice %arg5[%add3A_90, %dma_start3A_91] : memref<20224x128xf32, #tpu.memory_space<hbm>> -> memref<632x128xf32, #tpu.memory_space<hbm>>
      %dma_start3A_93 = arith.constant 0 : i32
      %dma_start3A_94 = tpu.memref_slice %arg15[%mul3A_0, %dma_start3A_93] : memref<10112x128xf32, #tpu.memory_space<vmem_shared>> -> memref<632x128xf32, #tpu.memory_space<vmem_shared>>
      tpu.enqueue_dma source(%dma_start3A_94 : memref<632x128xf32, #tpu.memory_space<vmem_shared>>) target(%dma_start3A_92 : memref<632x128xf32, #tpu.memory_space<hbm>>) target_semaphore(%run_scoped3A : memref<!tpu.dma_semaphore, #tpu.memory_space<semaphore_mem>>)
      %dma_wait3A_95 = arith.constant 0 : i32
      %dma_wait3A_96 = tpu.memref_slice %arg5[%add3A_90, %dma_wait3A_95] : memref<20224x128xf32, #tpu.memory_space<hbm>> -> memref<632x128xf32, #tpu.memory_space<hbm>>
      %dma_wait3A_97 = arith.constant 0 : i32
      %dma_wait3A_98 = tpu.memref_slice %arg15[%mul3A_0, %dma_wait3A_97] : memref<10112x128xf32, #tpu.memory_space<vmem_shared>> -> memref<632x128xf32, #tpu.memory_space<vmem_shared>>
      tpu.wait_dma2 semaphore(%run_scoped3A : memref<!tpu.dma_semaphore, #tpu.memory_space<semaphore_mem>>) src(%dma_wait3A_98 : memref<632x128xf32, #tpu.memory_space<vmem_shared>>) dst(%dma_wait3A_96 : memref<632x128xf32, #tpu.memory_space<hbm>>)
      tpu.yield
    }) : () -> ()
    return
  }
}

#map = affine_map<(d0, d1) -> (0, 0)>
module attributes {stable_mosaic.version = 14 : i64} {
  func.func @_sc_agg_body(%arg0: i32, %arg1: i32, %arg2: memref<20224x128xf32, #tpu.memory_space<hbm>>, %arg3: memref<2560x128xi32, #tpu.memory_space<hbm>>, %arg4: memref<1280x128xi32, #tpu.memory_space<hbm>>, %arg5: memref<20224x128xf32, #tpu.memory_space<hbm>>, %arg6: memref<40x128xi32, #tpu.memory_space<vmem>>, %arg7: memref<40x128xi32, #tpu.memory_space<vmem>>, %arg8: memref<128x128xf32, #tpu.memory_space<vmem>>, %arg9: memref<128x128xf32, #tpu.memory_space<vmem>>, %arg10: memref<!tpu.dma_semaphore, #tpu.memory_space<semaphore_mem>>, %arg11: memref<!tpu.dma_semaphore, #tpu.memory_space<semaphore_mem>>, %arg12: memref<!tpu.dma_semaphore, #tpu.memory_space<semaphore_mem>>, %arg13: memref<!tpu.dma_semaphore, #tpu.memory_space<semaphore_mem>>, %arg14: memref<!tpu.dma_semaphore, #tpu.memory_space<semaphore_mem>>, %arg15: memref<10112x128xf32, #tpu.memory_space<vmem_shared>>) attributes {dimension_semantics = [#tpu.dimension_semantics<core_parallel>, #tpu.dimension_semantics<subcore_parallel>], iteration_bounds = array<i64: 2, 16>, scalar_prefetch = 0 : i64, scratch_operands = 10 : i64, tpu.core_type = #tpu.core_type<sc_vector_subcore>, window_params = [{transform_indices = #map}, {transform_indices = #map}, {transform_indices = #map}, {transform_indices = #map}]} {
    %mul3A = arith.constant 632 : i32
    %mul3A_0 = arith.muli %arg1, %mul3A : i32
    %mul3A_1 = arith.constant 10112 : i32
    %mul3A_2 = arith.muli %arg0, %mul3A_1 : i32
    %add3A = arith.addi %mul3A_2, %mul3A_0 : i32
    %dma_start3A = arith.constant 0 : i32
    %dma_start3A_3 = tpu.memref_slice %arg15[%mul3A_0, %dma_start3A] : memref<10112x128xf32, #tpu.memory_space<vmem_shared>> -> memref<632x128xf32, #tpu.memory_space<vmem_shared>>
    %dma_start3A_4 = arith.constant 0 : i32
    %dma_start3A_5 = tpu.memref_slice %arg2[%add3A, %dma_start3A_4] : memref<20224x128xf32, #tpu.memory_space<hbm>> -> memref<632x128xf32, #tpu.memory_space<hbm>>
    tpu.enqueue_dma source(%dma_start3A_5 : memref<632x128xf32, #tpu.memory_space<hbm>>) target(%dma_start3A_3 : memref<632x128xf32, #tpu.memory_space<vmem_shared>>) target_semaphore(%arg14 : memref<!tpu.dma_semaphore, #tpu.memory_space<semaphore_mem>>)
    %mul3A_6 = arith.constant 16 : i32
    %mul3A_7 = arith.muli %arg0, %mul3A_6 : i32
    %add3A_8 = arith.addi %mul3A_7, %arg1 : i32
    %mul3A_9 = arith.constant 80 : i32
    %mul3A_10 = arith.muli %add3A_8, %mul3A_9 : i32
    %add3A_11 = arith.constant 0 : i32
    %add3A_12 = arith.addi %mul3A_10, %add3A_11 : i32
    "tpu.region"() ({
      %run_scoped3A = tpu.sem_alloc : memref<!tpu.dma_semaphore, #tpu.memory_space<semaphore_mem>>
      %dma_start3A_91 = arith.constant 0 : i32
      %dma_start3A_92 = tpu.memref_slice %arg3[%add3A_12, %dma_start3A_91] : memref<2560x128xi32, #tpu.memory_space<hbm>> -> memref<40x128xi32, #tpu.memory_space<hbm>>
      %dma_start3A_93 = arith.constant 0 : i32
      %dma_start3A_94 = tpu.memref_slice %arg3[%add3A_12, %dma_start3A_93] : memref<2560x128xi32, #tpu.memory_space<hbm>> -> memref<40x128xi32, #tpu.memory_space<hbm>>
      tpu.enqueue_dma source(%dma_start3A_94 : memref<40x128xi32, #tpu.memory_space<hbm>>) target(%arg6 : memref<40x128xi32, #tpu.memory_space<vmem>>) target_semaphore(%run_scoped3A : memref<!tpu.dma_semaphore, #tpu.memory_space<semaphore_mem>>)
      %dma_wait3A_95 = arith.constant 0 : i32
      %dma_wait3A_96 = tpu.memref_slice %arg3[%add3A_12, %dma_wait3A_95] : memref<2560x128xi32, #tpu.memory_space<hbm>> -> memref<40x128xi32, #tpu.memory_space<hbm>>
      %dma_wait3A_97 = arith.constant 0 : i32
      %dma_wait3A_98 = tpu.memref_slice %arg3[%add3A_12, %dma_wait3A_97] : memref<2560x128xi32, #tpu.memory_space<hbm>> -> memref<40x128xi32, #tpu.memory_space<hbm>>
      tpu.wait_dma2 semaphore(%run_scoped3A : memref<!tpu.dma_semaphore, #tpu.memory_space<semaphore_mem>>) src(%dma_wait3A_98 : memref<40x128xi32, #tpu.memory_space<hbm>>) dst(%arg6 : memref<40x128xi32, #tpu.memory_space<vmem>>)
      tpu.yield
    }) : () -> ()
    %mul3A_13 = arith.constant 80 : i32
    %mul3A_14 = arith.muli %arg1, %mul3A_13 : i32
    %add3A_15 = arith.constant 0 : i32
    %add3A_16 = arith.addi %mul3A_14, %add3A_15 : i32
    "tpu.region"() ({
      %run_scoped3A = tpu.sem_alloc : memref<!tpu.dma_semaphore, #tpu.memory_space<semaphore_mem>>
      %dma_start3A_91 = arith.constant 0 : i32
      %dma_start3A_92 = tpu.memref_slice %arg4[%add3A_16, %dma_start3A_91] : memref<1280x128xi32, #tpu.memory_space<hbm>> -> memref<40x128xi32, #tpu.memory_space<hbm>>
      %dma_start3A_93 = arith.constant 0 : i32
      %dma_start3A_94 = tpu.memref_slice %arg4[%add3A_16, %dma_start3A_93] : memref<1280x128xi32, #tpu.memory_space<hbm>> -> memref<40x128xi32, #tpu.memory_space<hbm>>
      tpu.enqueue_dma source(%dma_start3A_94 : memref<40x128xi32, #tpu.memory_space<hbm>>) target(%arg7 : memref<40x128xi32, #tpu.memory_space<vmem>>) target_semaphore(%run_scoped3A : memref<!tpu.dma_semaphore, #tpu.memory_space<semaphore_mem>>)
      %dma_wait3A_95 = arith.constant 0 : i32
      %dma_wait3A_96 = tpu.memref_slice %arg4[%add3A_16, %dma_wait3A_95] : memref<1280x128xi32, #tpu.memory_space<hbm>> -> memref<40x128xi32, #tpu.memory_space<hbm>>
      %dma_wait3A_97 = arith.constant 0 : i32
      %dma_wait3A_98 = tpu.memref_slice %arg4[%add3A_16, %dma_wait3A_97] : memref<1280x128xi32, #tpu.memory_space<hbm>> -> memref<40x128xi32, #tpu.memory_space<hbm>>
      tpu.wait_dma2 semaphore(%run_scoped3A : memref<!tpu.dma_semaphore, #tpu.memory_space<semaphore_mem>>) src(%dma_wait3A_98 : memref<40x128xi32, #tpu.memory_space<hbm>>) dst(%arg7 : memref<40x128xi32, #tpu.memory_space<vmem>>)
      tpu.yield
    }) : () -> ()
    %dma_start3A_17 = arith.constant 0 : i32
    %dma_start3A_18 = arith.constant 0 : i32
    %dma_start3A_19 = tpu.memref_slice %arg6[%dma_start3A_17, %dma_start3A_18] : memref<40x128xi32, #tpu.memory_space<vmem>> -> memref<1x128xi32, #tpu.memory_space<vmem>>
    %dma_start3A_20 = tpu.memref_squeeze %dma_start3A_19 : memref<1x128xi32, #tpu.memory_space<vmem>> -> memref<128xi32, #tpu.memory_space<vmem>>
    %dma_start3A_21 = arith.constant 0 : i32
    %dma_start3A_22 = arith.constant 0 : i32
    %dma_start3A_23 = tpu.memref_slice %arg2[%dma_start3A_21, %dma_start3A_22] : memref<20224x128xf32, #tpu.memory_space<hbm>> -> memref<20224x128xf32, #tpu.memory_space<hbm>>
    tpu.enqueue_indirect_dma source(%dma_start3A_23 : memref<20224x128xf32, #tpu.memory_space<hbm>>) target(%arg8 : memref<128x128xf32, #tpu.memory_space<vmem>>) offsets(%dma_start3A_20 : memref<128xi32, #tpu.memory_space<vmem>>) semaphore(%arg10 : memref<!tpu.dma_semaphore, #tpu.memory_space<semaphore_mem>>)
    %mul3A_24 = arith.constant 10112 : i32
    %mul3A_25 = arith.muli %arg0, %mul3A_24 : i32
    %add3A_26 = arith.addi %mul3A_25, %mul3A_0 : i32
    %dma_wait3A = arith.constant 0 : i32
    %dma_wait3A_27 = tpu.memref_slice %arg15[%mul3A_0, %dma_wait3A] : memref<10112x128xf32, #tpu.memory_space<vmem_shared>> -> memref<632x128xf32, #tpu.memory_space<vmem_shared>>
    %dma_wait3A_28 = arith.constant 0 : i32
    %dma_wait3A_29 = tpu.memref_slice %arg2[%add3A_26, %dma_wait3A_28] : memref<20224x128xf32, #tpu.memory_space<hbm>> -> memref<632x128xf32, #tpu.memory_space<hbm>>
    tpu.wait_dma2 semaphore(%arg14 : memref<!tpu.dma_semaphore, #tpu.memory_space<semaphore_mem>>) src(%dma_wait3A_29 : memref<632x128xf32, #tpu.memory_space<hbm>>) dst(%dma_wait3A_27 : memref<632x128xf32, #tpu.memory_space<vmem_shared>>)
    %barrier3A = arith.constant 0 : index
    tpu.barrier barrier_id(%barrier3A)
    %scan3A = arith.constant 0 : i32
    %scan3A_30 = arith.constant 0 : i32
    %scan3A_31 = arith.constant 20 : i32
    %scan3A_32 = arith.addi %scan3A_30, %scan3A_31 : i32
    %scan3A_33 = arith.constant 1 : i32
    scf.for %scan3A_91 = %scan3A_30 to %scan3A_32 step %scan3A_33  : i32 {
      %mul3A_92 = arith.constant 2 : i32
      %mul3A_93 = arith.muli %scan3A_91, %mul3A_92 : i32
      %add3A_94 = arith.constant 0 : i32
      %add3A_95 = arith.addi %mul3A_93, %add3A_94 : i32
      %dma_wait3A_96 = arith.constant 0 : i32
      %dma_wait3A_97 = tpu.memref_slice %arg6[%add3A_95, %dma_wait3A_96] : memref<40x128xi32, #tpu.memory_space<vmem>> -> memref<1x128xi32, #tpu.memory_space<vmem>>
      %dma_wait3A_98 = tpu.memref_squeeze %dma_wait3A_97 : memref<1x128xi32, #tpu.memory_space<vmem>> -> memref<128xi32, #tpu.memory_space<vmem>>
      %dma_wait3A_99 = arith.constant 0 : i32
      %dma_wait3A_100 = arith.constant 0 : i32
      %dma_wait3A_101 = tpu.memref_slice %arg2[%dma_wait3A_99, %dma_wait3A_100] : memref<20224x128xf32, #tpu.memory_space<hbm>> -> memref<20224x128xf32, #tpu.memory_space<hbm>>
      tpu.wait_indirect_dma semaphore(%arg10 : memref<!tpu.dma_semaphore, #tpu.memory_space<semaphore_mem>>) src(%dma_wait3A_101 : memref<20224x128xf32, #tpu.memory_space<hbm>>) dst(%arg8 : memref<128x128xf32, #tpu.memory_space<vmem>>)
      %dma_start3A_102 = arith.constant 0 : i32
      %dma_start3A_103 = tpu.memref_slice %arg7[%add3A_95, %dma_start3A_102] : memref<40x128xi32, #tpu.memory_space<vmem>> -> memref<1x128xi32, #tpu.memory_space<vmem>>
      %dma_start3A_104 = tpu.memref_squeeze %dma_start3A_103 : memref<1x128xi32, #tpu.memory_space<vmem>> -> memref<128xi32, #tpu.memory_space<vmem>>
      %dma_start3A_105 = arith.constant 0 : i32
      %dma_start3A_106 = arith.constant 0 : i32
      %dma_start3A_107 = tpu.memref_slice %arg15[%dma_start3A_105, %dma_start3A_106] : memref<10112x128xf32, #tpu.memory_space<vmem_shared>> -> memref<10112x128xf32, #tpu.memory_space<vmem_shared>>
      tpu.enqueue_indirect_dma source(%arg8 : memref<128x128xf32, #tpu.memory_space<vmem>>) target(%dma_start3A_107 : memref<10112x128xf32, #tpu.memory_space<vmem_shared>>) offsets(%dma_start3A_104 : memref<128xi32, #tpu.memory_space<vmem>>) semaphore(%arg12 : memref<!tpu.dma_semaphore, #tpu.memory_space<semaphore_mem>>) {add = true}
      %add3A_108 = arith.constant 1 : i32
      %add3A_109 = arith.addi %add3A_95, %add3A_108 : i32
      %lt3A = arith.constant 40 : i32
      %lt3A_110 = arith.cmpi slt, %add3A_109, %lt3A : i32
      %convert_element_type3A = arith.extui %lt3A_110 : i1 to i32
      %cond3A = arith.constant 0 : i32
      %cond3A_111 = arith.cmpi ne, %convert_element_type3A, %cond3A : i32
      scf.if %cond3A_111 {
        %ge3A = arith.constant 1 : i32
        %ge3A_135 = arith.cmpi sge, %add3A_95, %ge3A : i32
        %convert_element_type3A_136 = arith.extui %ge3A_135 : i1 to i32
        %cond3A_137 = arith.constant 0 : i32
        %cond3A_138 = arith.cmpi ne, %convert_element_type3A_136, %cond3A_137 : i32
        scf.if %cond3A_138 {
          %dma_wait3A_145 = arith.constant 0 : i32
          %dma_wait3A_146 = tpu.memref_slice %arg7[%add3A_95, %dma_wait3A_145] : memref<40x128xi32, #tpu.memory_space<vmem>> -> memref<1x128xi32, #tpu.memory_space<vmem>>
          %dma_wait3A_147 = tpu.memref_squeeze %dma_wait3A_146 : memref<1x128xi32, #tpu.memory_space<vmem>> -> memref<128xi32, #tpu.memory_space<vmem>>
          %dma_wait3A_148 = arith.constant 0 : i32
          %dma_wait3A_149 = arith.constant 0 : i32
          %dma_wait3A_150 = tpu.memref_slice %arg15[%dma_wait3A_148, %dma_wait3A_149] : memref<10112x128xf32, #tpu.memory_space<vmem_shared>> -> memref<10112x128xf32, #tpu.memory_space<vmem_shared>>
          tpu.wait_indirect_dma semaphore(%arg13 : memref<!tpu.dma_semaphore, #tpu.memory_space<semaphore_mem>>) src(%arg9 : memref<128x128xf32, #tpu.memory_space<vmem>>) dst(%dma_wait3A_150 : memref<10112x128xf32, #tpu.memory_space<vmem_shared>>)
        } else {
        }
        %dma_start3A_139 = arith.constant 0 : i32
        %dma_start3A_140 = tpu.memref_slice %arg6[%add3A_109, %dma_start3A_139] : memref<40x128xi32, #tpu.memory_space<vmem>> -> memref<1x128xi32, #tpu.memory_space<vmem>>
        %dma_start3A_141 = tpu.memref_squeeze %dma_start3A_140 : memref<1x128xi32, #tpu.memory_space<vmem>> -> memref<128xi32, #tpu.memory_space<vmem>>
        %dma_start3A_142 = arith.constant 0 : i32
        %dma_start3A_143 = arith.constant 0 : i32
        %dma_start3A_144 = tpu.memref_slice %arg2[%dma_start3A_142, %dma_start3A_143] : memref<20224x128xf32, #tpu.memory_space<hbm>> -> memref<20224x128xf32, #tpu.memory_space<hbm>>
        tpu.enqueue_indirect_dma source(%dma_start3A_144 : memref<20224x128xf32, #tpu.memory_space<hbm>>) target(%arg9 : memref<128x128xf32, #tpu.memory_space<vmem>>) offsets(%dma_start3A_141 : memref<128xi32, #tpu.memory_space<vmem>>) semaphore(%arg11 : memref<!tpu.dma_semaphore, #tpu.memory_space<semaphore_mem>>)
      } else {
      }
      %mul3A_112 = arith.constant 2 : i32
      %mul3A_113 = arith.muli %scan3A_91, %mul3A_112 : i32
      %add3A_114 = arith.constant 1 : i32
      %add3A_115 = arith.addi %mul3A_113, %add3A_114 : i32
      %dma_wait3A_116 = arith.constant 0 : i32
      %dma_wait3A_117 = tpu.memref_slice %arg6[%add3A_115, %dma_wait3A_116] : memref<40x128xi32, #tpu.memory_space<vmem>> -> memref<1x128xi32, #tpu.memory_space<vmem>>
      %dma_wait3A_118 = tpu.memref_squeeze %dma_wait3A_117 : memref<1x128xi32, #tpu.memory_space<vmem>> -> memref<128xi32, #tpu.memory_space<vmem>>
      %dma_wait3A_119 = arith.constant 0 : i32
      %dma_wait3A_120 = arith.constant 0 : i32
      %dma_wait3A_121 = tpu.memref_slice %arg2[%dma_wait3A_119, %dma_wait3A_120] : memref<20224x128xf32, #tpu.memory_space<hbm>> -> memref<20224x128xf32, #tpu.memory_space<hbm>>
      tpu.wait_indirect_dma semaphore(%arg11 : memref<!tpu.dma_semaphore, #tpu.memory_space<semaphore_mem>>) src(%dma_wait3A_121 : memref<20224x128xf32, #tpu.memory_space<hbm>>) dst(%arg9 : memref<128x128xf32, #tpu.memory_space<vmem>>)
      %dma_start3A_122 = arith.constant 0 : i32
      %dma_start3A_123 = tpu.memref_slice %arg7[%add3A_115, %dma_start3A_122] : memref<40x128xi32, #tpu.memory_space<vmem>> -> memref<1x128xi32, #tpu.memory_space<vmem>>
      %dma_start3A_124 = tpu.memref_squeeze %dma_start3A_123 : memref<1x128xi32, #tpu.memory_space<vmem>> -> memref<128xi32, #tpu.memory_space<vmem>>
      %dma_start3A_125 = arith.constant 0 : i32
      %dma_start3A_126 = arith.constant 0 : i32
      %dma_start3A_127 = tpu.memref_slice %arg15[%dma_start3A_125, %dma_start3A_126] : memref<10112x128xf32, #tpu.memory_space<vmem_shared>> -> memref<10112x128xf32, #tpu.memory_space<vmem_shared>>
      tpu.enqueue_indirect_dma source(%arg9 : memref<128x128xf32, #tpu.memory_space<vmem>>) target(%dma_start3A_127 : memref<10112x128xf32, #tpu.memory_space<vmem_shared>>) offsets(%dma_start3A_124 : memref<128xi32, #tpu.memory_space<vmem>>) semaphore(%arg13 : memref<!tpu.dma_semaphore, #tpu.memory_space<semaphore_mem>>) {add = true}
      %add3A_128 = arith.constant 1 : i32
      %add3A_129 = arith.addi %add3A_115, %add3A_128 : i32
      %lt3A_130 = arith.constant 40 : i32
      %lt3A_131 = arith.cmpi slt, %add3A_129, %lt3A_130 : i32
      %convert_element_type3A_132 = arith.extui %lt3A_131 : i1 to i32
      %cond3A_133 = arith.constant 0 : i32
      %cond3A_134 = arith.cmpi ne, %convert_element_type3A_132, %cond3A_133 : i32
      scf.if %cond3A_134 {
        %ge3A = arith.constant 1 : i32
        %ge3A_135 = arith.cmpi sge, %add3A_115, %ge3A : i32
        %convert_element_type3A_136 = arith.extui %ge3A_135 : i1 to i32
        %cond3A_137 = arith.constant 0 : i32
        %cond3A_138 = arith.cmpi ne, %convert_element_type3A_136, %cond3A_137 : i32
        scf.if %cond3A_138 {
          %dma_wait3A_145 = arith.constant 0 : i32
          %dma_wait3A_146 = tpu.memref_slice %arg7[%add3A_115, %dma_wait3A_145] : memref<40x128xi32, #tpu.memory_space<vmem>> -> memref<1x128xi32, #tpu.memory_space<vmem>>
          %dma_wait3A_147 = tpu.memref_squeeze %dma_wait3A_146 : memref<1x128xi32, #tpu.memory_space<vmem>> -> memref<128xi32, #tpu.memory_space<vmem>>
          %dma_wait3A_148 = arith.constant 0 : i32
          %dma_wait3A_149 = arith.constant 0 : i32
          %dma_wait3A_150 = tpu.memref_slice %arg15[%dma_wait3A_148, %dma_wait3A_149] : memref<10112x128xf32, #tpu.memory_space<vmem_shared>> -> memref<10112x128xf32, #tpu.memory_space<vmem_shared>>
          tpu.wait_indirect_dma semaphore(%arg12 : memref<!tpu.dma_semaphore, #tpu.memory_space<semaphore_mem>>) src(%arg8 : memref<128x128xf32, #tpu.memory_space<vmem>>) dst(%dma_wait3A_150 : memref<10112x128xf32, #tpu.memory_space<vmem_shared>>)
        } else {
        }
        %dma_start3A_139 = arith.constant 0 : i32
        %dma_start3A_140 = tpu.memref_slice %arg6[%add3A_129, %dma_start3A_139] : memref<40x128xi32, #tpu.memory_space<vmem>> -> memref<1x128xi32, #tpu.memory_space<vmem>>
        %dma_start3A_141 = tpu.memref_squeeze %dma_start3A_140 : memref<1x128xi32, #tpu.memory_space<vmem>> -> memref<128xi32, #tpu.memory_space<vmem>>
        %dma_start3A_142 = arith.constant 0 : i32
        %dma_start3A_143 = arith.constant 0 : i32
        %dma_start3A_144 = tpu.memref_slice %arg2[%dma_start3A_142, %dma_start3A_143] : memref<20224x128xf32, #tpu.memory_space<hbm>> -> memref<20224x128xf32, #tpu.memory_space<hbm>>
        tpu.enqueue_indirect_dma source(%dma_start3A_144 : memref<20224x128xf32, #tpu.memory_space<hbm>>) target(%arg8 : memref<128x128xf32, #tpu.memory_space<vmem>>) offsets(%dma_start3A_141 : memref<128xi32, #tpu.memory_space<vmem>>) semaphore(%arg10 : memref<!tpu.dma_semaphore, #tpu.memory_space<semaphore_mem>>)
      } else {
      }
    }
    %scan3A_34 = arith.constant 20 : i32
    %dma_wait3A_35 = arith.constant 0 : i32
    %dma_wait3A_36 = arith.constant 0 : i32
    %dma_wait3A_37 = tpu.memref_slice %arg7[%dma_wait3A_35, %dma_wait3A_36] : memref<40x128xi32, #tpu.memory_space<vmem>> -> memref<1x128xi32, #tpu.memory_space<vmem>>
    %dma_wait3A_38 = tpu.memref_squeeze %dma_wait3A_37 : memref<1x128xi32, #tpu.memory_space<vmem>> -> memref<128xi32, #tpu.memory_space<vmem>>
    %dma_wait3A_39 = arith.constant 0 : i32
    %dma_wait3A_40 = arith.constant 0 : i32
    %dma_wait3A_41 = tpu.memref_slice %arg15[%dma_wait3A_39, %dma_wait3A_40] : memref<10112x128xf32, #tpu.memory_space<vmem_shared>> -> memref<10112x128xf32, #tpu.memory_space<vmem_shared>>
    tpu.wait_indirect_dma semaphore(%arg12 : memref<!tpu.dma_semaphore, #tpu.memory_space<semaphore_mem>>) src(%arg8 : memref<128x128xf32, #tpu.memory_space<vmem>>) dst(%dma_wait3A_41 : memref<10112x128xf32, #tpu.memory_space<vmem_shared>>)
    %dma_wait3A_42 = arith.constant 1 : i32
    %dma_wait3A_43 = arith.constant 0 : i32
    %dma_wait3A_44 = tpu.memref_slice %arg7[%dma_wait3A_42, %dma_wait3A_43] : memref<40x128xi32, #tpu.memory_space<vmem>> -> memref<1x128xi32, #tpu.memory_space<vmem>>
    %dma_wait3A_45 = tpu.memref_squeeze %dma_wait3A_44 : memref<1x128xi32, #tpu.memory_space<vmem>> -> memref<128xi32, #tpu.memory_space<vmem>>
    %dma_wait3A_46 = arith.constant 0 : i32
    %dma_wait3A_47 = arith.constant 0 : i32
    %dma_wait3A_48 = tpu.memref_slice %arg15[%dma_wait3A_46, %dma_wait3A_47] : memref<10112x128xf32, #tpu.memory_space<vmem_shared>> -> memref<10112x128xf32, #tpu.memory_space<vmem_shared>>
    tpu.wait_indirect_dma semaphore(%arg13 : memref<!tpu.dma_semaphore, #tpu.memory_space<semaphore_mem>>) src(%arg9 : memref<128x128xf32, #tpu.memory_space<vmem>>) dst(%dma_wait3A_48 : memref<10112x128xf32, #tpu.memory_space<vmem_shared>>)
    %mul3A_49 = arith.constant 16 : i32
    %mul3A_50 = arith.muli %arg0, %mul3A_49 : i32
    %add3A_51 = arith.addi %mul3A_50, %arg1 : i32
    %mul3A_52 = arith.constant 80 : i32
    %mul3A_53 = arith.muli %add3A_51, %mul3A_52 : i32
    %add3A_54 = arith.constant 40 : i32
    %add3A_55 = arith.addi %mul3A_53, %add3A_54 : i32
    "tpu.region"() ({
      %run_scoped3A = tpu.sem_alloc : memref<!tpu.dma_semaphore, #tpu.memory_space<semaphore_mem>>
      %dma_start3A_91 = arith.constant 0 : i32
      %dma_start3A_92 = tpu.memref_slice %arg3[%add3A_55, %dma_start3A_91] : memref<2560x128xi32, #tpu.memory_space<hbm>> -> memref<40x128xi32, #tpu.memory_space<hbm>>
      %dma_start3A_93 = arith.constant 0 : i32
      %dma_start3A_94 = tpu.memref_slice %arg3[%add3A_55, %dma_start3A_93] : memref<2560x128xi32, #tpu.memory_space<hbm>> -> memref<40x128xi32, #tpu.memory_space<hbm>>
      tpu.enqueue_dma source(%dma_start3A_94 : memref<40x128xi32, #tpu.memory_space<hbm>>) target(%arg6 : memref<40x128xi32, #tpu.memory_space<vmem>>) target_semaphore(%run_scoped3A : memref<!tpu.dma_semaphore, #tpu.memory_space<semaphore_mem>>)
      %dma_wait3A_95 = arith.constant 0 : i32
      %dma_wait3A_96 = tpu.memref_slice %arg3[%add3A_55, %dma_wait3A_95] : memref<2560x128xi32, #tpu.memory_space<hbm>> -> memref<40x128xi32, #tpu.memory_space<hbm>>
      %dma_wait3A_97 = arith.constant 0 : i32
      %dma_wait3A_98 = tpu.memref_slice %arg3[%add3A_55, %dma_wait3A_97] : memref<2560x128xi32, #tpu.memory_space<hbm>> -> memref<40x128xi32, #tpu.memory_space<hbm>>
      tpu.wait_dma2 semaphore(%run_scoped3A : memref<!tpu.dma_semaphore, #tpu.memory_space<semaphore_mem>>) src(%dma_wait3A_98 : memref<40x128xi32, #tpu.memory_space<hbm>>) dst(%arg6 : memref<40x128xi32, #tpu.memory_space<vmem>>)
      tpu.yield
    }) : () -> ()
    %mul3A_56 = arith.constant 80 : i32
    %mul3A_57 = arith.muli %arg1, %mul3A_56 : i32
    %add3A_58 = arith.constant 40 : i32
    %add3A_59 = arith.addi %mul3A_57, %add3A_58 : i32
    "tpu.region"() ({
      %run_scoped3A = tpu.sem_alloc : memref<!tpu.dma_semaphore, #tpu.memory_space<semaphore_mem>>
      %dma_start3A_91 = arith.constant 0 : i32
      %dma_start3A_92 = tpu.memref_slice %arg4[%add3A_59, %dma_start3A_91] : memref<1280x128xi32, #tpu.memory_space<hbm>> -> memref<40x128xi32, #tpu.memory_space<hbm>>
      %dma_start3A_93 = arith.constant 0 : i32
      %dma_start3A_94 = tpu.memref_slice %arg4[%add3A_59, %dma_start3A_93] : memref<1280x128xi32, #tpu.memory_space<hbm>> -> memref<40x128xi32, #tpu.memory_space<hbm>>
      tpu.enqueue_dma source(%dma_start3A_94 : memref<40x128xi32, #tpu.memory_space<hbm>>) target(%arg7 : memref<40x128xi32, #tpu.memory_space<vmem>>) target_semaphore(%run_scoped3A : memref<!tpu.dma_semaphore, #tpu.memory_space<semaphore_mem>>)
      %dma_wait3A_95 = arith.constant 0 : i32
      %dma_wait3A_96 = tpu.memref_slice %arg4[%add3A_59, %dma_wait3A_95] : memref<1280x128xi32, #tpu.memory_space<hbm>> -> memref<40x128xi32, #tpu.memory_space<hbm>>
      %dma_wait3A_97 = arith.constant 0 : i32
      %dma_wait3A_98 = tpu.memref_slice %arg4[%add3A_59, %dma_wait3A_97] : memref<1280x128xi32, #tpu.memory_space<hbm>> -> memref<40x128xi32, #tpu.memory_space<hbm>>
      tpu.wait_dma2 semaphore(%run_scoped3A : memref<!tpu.dma_semaphore, #tpu.memory_space<semaphore_mem>>) src(%dma_wait3A_98 : memref<40x128xi32, #tpu.memory_space<hbm>>) dst(%arg7 : memref<40x128xi32, #tpu.memory_space<vmem>>)
      tpu.yield
    }) : () -> ()
    %dma_start3A_60 = arith.constant 0 : i32
    %dma_start3A_61 = arith.constant 0 : i32
    %dma_start3A_62 = tpu.memref_slice %arg6[%dma_start3A_60, %dma_start3A_61] : memref<40x128xi32, #tpu.memory_space<vmem>> -> memref<1x128xi32, #tpu.memory_space<vmem>>
    %dma_start3A_63 = tpu.memref_squeeze %dma_start3A_62 : memref<1x128xi32, #tpu.memory_space<vmem>> -> memref<128xi32, #tpu.memory_space<vmem>>
    %dma_start3A_64 = arith.constant 0 : i32
    %dma_start3A_65 = arith.constant 0 : i32
    %dma_start3A_66 = tpu.memref_slice %arg2[%dma_start3A_64, %dma_start3A_65] : memref<20224x128xf32, #tpu.memory_space<hbm>> -> memref<20224x128xf32, #tpu.memory_space<hbm>>
    tpu.enqueue_indirect_dma source(%dma_start3A_66 : memref<20224x128xf32, #tpu.memory_space<hbm>>) target(%arg8 : memref<128x128xf32, #tpu.memory_space<vmem>>) offsets(%dma_start3A_63 : memref<128xi32, #tpu.memory_space<vmem>>) semaphore(%arg10 : memref<!tpu.dma_semaphore, #tpu.memory_space<semaphore_mem>>)
    %scan3A_67 = arith.constant 0 : i32
    %scan3A_68 = arith.constant 0 : i32
    %scan3A_69 = arith.constant 20 : i32
    %scan3A_70 = arith.addi %scan3A_68, %scan3A_69 : i32
    %scan3A_71 = arith.constant 1 : i32
    scf.for %scan3A_91 = %scan3A_68 to %scan3A_70 step %scan3A_71  : i32 {
      %mul3A_92 = arith.constant 2 : i32
      %mul3A_93 = arith.muli %scan3A_91, %mul3A_92 : i32
      %add3A_94 = arith.constant 0 : i32
      %add3A_95 = arith.addi %mul3A_93, %add3A_94 : i32
      %dma_wait3A_96 = arith.constant 0 : i32
      %dma_wait3A_97 = tpu.memref_slice %arg6[%add3A_95, %dma_wait3A_96] : memref<40x128xi32, #tpu.memory_space<vmem>> -> memref<1x128xi32, #tpu.memory_space<vmem>>
      %dma_wait3A_98 = tpu.memref_squeeze %dma_wait3A_97 : memref<1x128xi32, #tpu.memory_space<vmem>> -> memref<128xi32, #tpu.memory_space<vmem>>
      %dma_wait3A_99 = arith.constant 0 : i32
      %dma_wait3A_100 = arith.constant 0 : i32
      %dma_wait3A_101 = tpu.memref_slice %arg2[%dma_wait3A_99, %dma_wait3A_100] : memref<20224x128xf32, #tpu.memory_space<hbm>> -> memref<20224x128xf32, #tpu.memory_space<hbm>>
      tpu.wait_indirect_dma semaphore(%arg10 : memref<!tpu.dma_semaphore, #tpu.memory_space<semaphore_mem>>) src(%dma_wait3A_101 : memref<20224x128xf32, #tpu.memory_space<hbm>>) dst(%arg8 : memref<128x128xf32, #tpu.memory_space<vmem>>)
      %dma_start3A_102 = arith.constant 0 : i32
      %dma_start3A_103 = tpu.memref_slice %arg7[%add3A_95, %dma_start3A_102] : memref<40x128xi32, #tpu.memory_space<vmem>> -> memref<1x128xi32, #tpu.memory_space<vmem>>
      %dma_start3A_104 = tpu.memref_squeeze %dma_start3A_103 : memref<1x128xi32, #tpu.memory_space<vmem>> -> memref<128xi32, #tpu.memory_space<vmem>>
      %dma_start3A_105 = arith.constant 0 : i32
      %dma_start3A_106 = arith.constant 0 : i32
      %dma_start3A_107 = tpu.memref_slice %arg15[%dma_start3A_105, %dma_start3A_106] : memref<10112x128xf32, #tpu.memory_space<vmem_shared>> -> memref<10112x128xf32, #tpu.memory_space<vmem_shared>>
      tpu.enqueue_indirect_dma source(%arg8 : memref<128x128xf32, #tpu.memory_space<vmem>>) target(%dma_start3A_107 : memref<10112x128xf32, #tpu.memory_space<vmem_shared>>) offsets(%dma_start3A_104 : memref<128xi32, #tpu.memory_space<vmem>>) semaphore(%arg12 : memref<!tpu.dma_semaphore, #tpu.memory_space<semaphore_mem>>) {add = true}
      %add3A_108 = arith.constant 1 : i32
      %add3A_109 = arith.addi %add3A_95, %add3A_108 : i32
      %lt3A = arith.constant 40 : i32
      %lt3A_110 = arith.cmpi slt, %add3A_109, %lt3A : i32
      %convert_element_type3A = arith.extui %lt3A_110 : i1 to i32
      %cond3A = arith.constant 0 : i32
      %cond3A_111 = arith.cmpi ne, %convert_element_type3A, %cond3A : i32
      scf.if %cond3A_111 {
        %ge3A = arith.constant 1 : i32
        %ge3A_135 = arith.cmpi sge, %add3A_95, %ge3A : i32
        %convert_element_type3A_136 = arith.extui %ge3A_135 : i1 to i32
        %cond3A_137 = arith.constant 0 : i32
        %cond3A_138 = arith.cmpi ne, %convert_element_type3A_136, %cond3A_137 : i32
        scf.if %cond3A_138 {
          %dma_wait3A_145 = arith.constant 0 : i32
          %dma_wait3A_146 = tpu.memref_slice %arg7[%add3A_95, %dma_wait3A_145] : memref<40x128xi32, #tpu.memory_space<vmem>> -> memref<1x128xi32, #tpu.memory_space<vmem>>
          %dma_wait3A_147 = tpu.memref_squeeze %dma_wait3A_146 : memref<1x128xi32, #tpu.memory_space<vmem>> -> memref<128xi32, #tpu.memory_space<vmem>>
          %dma_wait3A_148 = arith.constant 0 : i32
          %dma_wait3A_149 = arith.constant 0 : i32
          %dma_wait3A_150 = tpu.memref_slice %arg15[%dma_wait3A_148, %dma_wait3A_149] : memref<10112x128xf32, #tpu.memory_space<vmem_shared>> -> memref<10112x128xf32, #tpu.memory_space<vmem_shared>>
          tpu.wait_indirect_dma semaphore(%arg13 : memref<!tpu.dma_semaphore, #tpu.memory_space<semaphore_mem>>) src(%arg9 : memref<128x128xf32, #tpu.memory_space<vmem>>) dst(%dma_wait3A_150 : memref<10112x128xf32, #tpu.memory_space<vmem_shared>>)
        } else {
        }
        %dma_start3A_139 = arith.constant 0 : i32
        %dma_start3A_140 = tpu.memref_slice %arg6[%add3A_109, %dma_start3A_139] : memref<40x128xi32, #tpu.memory_space<vmem>> -> memref<1x128xi32, #tpu.memory_space<vmem>>
        %dma_start3A_141 = tpu.memref_squeeze %dma_start3A_140 : memref<1x128xi32, #tpu.memory_space<vmem>> -> memref<128xi32, #tpu.memory_space<vmem>>
        %dma_start3A_142 = arith.constant 0 : i32
        %dma_start3A_143 = arith.constant 0 : i32
        %dma_start3A_144 = tpu.memref_slice %arg2[%dma_start3A_142, %dma_start3A_143] : memref<20224x128xf32, #tpu.memory_space<hbm>> -> memref<20224x128xf32, #tpu.memory_space<hbm>>
        tpu.enqueue_indirect_dma source(%dma_start3A_144 : memref<20224x128xf32, #tpu.memory_space<hbm>>) target(%arg9 : memref<128x128xf32, #tpu.memory_space<vmem>>) offsets(%dma_start3A_141 : memref<128xi32, #tpu.memory_space<vmem>>) semaphore(%arg11 : memref<!tpu.dma_semaphore, #tpu.memory_space<semaphore_mem>>)
      } else {
      }
      %mul3A_112 = arith.constant 2 : i32
      %mul3A_113 = arith.muli %scan3A_91, %mul3A_112 : i32
      %add3A_114 = arith.constant 1 : i32
      %add3A_115 = arith.addi %mul3A_113, %add3A_114 : i32
      %dma_wait3A_116 = arith.constant 0 : i32
      %dma_wait3A_117 = tpu.memref_slice %arg6[%add3A_115, %dma_wait3A_116] : memref<40x128xi32, #tpu.memory_space<vmem>> -> memref<1x128xi32, #tpu.memory_space<vmem>>
      %dma_wait3A_118 = tpu.memref_squeeze %dma_wait3A_117 : memref<1x128xi32, #tpu.memory_space<vmem>> -> memref<128xi32, #tpu.memory_space<vmem>>
      %dma_wait3A_119 = arith.constant 0 : i32
      %dma_wait3A_120 = arith.constant 0 : i32
      %dma_wait3A_121 = tpu.memref_slice %arg2[%dma_wait3A_119, %dma_wait3A_120] : memref<20224x128xf32, #tpu.memory_space<hbm>> -> memref<20224x128xf32, #tpu.memory_space<hbm>>
      tpu.wait_indirect_dma semaphore(%arg11 : memref<!tpu.dma_semaphore, #tpu.memory_space<semaphore_mem>>) src(%dma_wait3A_121 : memref<20224x128xf32, #tpu.memory_space<hbm>>) dst(%arg9 : memref<128x128xf32, #tpu.memory_space<vmem>>)
      %dma_start3A_122 = arith.constant 0 : i32
      %dma_start3A_123 = tpu.memref_slice %arg7[%add3A_115, %dma_start3A_122] : memref<40x128xi32, #tpu.memory_space<vmem>> -> memref<1x128xi32, #tpu.memory_space<vmem>>
      %dma_start3A_124 = tpu.memref_squeeze %dma_start3A_123 : memref<1x128xi32, #tpu.memory_space<vmem>> -> memref<128xi32, #tpu.memory_space<vmem>>
      %dma_start3A_125 = arith.constant 0 : i32
      %dma_start3A_126 = arith.constant 0 : i32
      %dma_start3A_127 = tpu.memref_slice %arg15[%dma_start3A_125, %dma_start3A_126] : memref<10112x128xf32, #tpu.memory_space<vmem_shared>> -> memref<10112x128xf32, #tpu.memory_space<vmem_shared>>
      tpu.enqueue_indirect_dma source(%arg9 : memref<128x128xf32, #tpu.memory_space<vmem>>) target(%dma_start3A_127 : memref<10112x128xf32, #tpu.memory_space<vmem_shared>>) offsets(%dma_start3A_124 : memref<128xi32, #tpu.memory_space<vmem>>) semaphore(%arg13 : memref<!tpu.dma_semaphore, #tpu.memory_space<semaphore_mem>>) {add = true}
      %add3A_128 = arith.constant 1 : i32
      %add3A_129 = arith.addi %add3A_115, %add3A_128 : i32
      %lt3A_130 = arith.constant 40 : i32
      %lt3A_131 = arith.cmpi slt, %add3A_129, %lt3A_130 : i32
      %convert_element_type3A_132 = arith.extui %lt3A_131 : i1 to i32
      %cond3A_133 = arith.constant 0 : i32
      %cond3A_134 = arith.cmpi ne, %convert_element_type3A_132, %cond3A_133 : i32
      scf.if %cond3A_134 {
        %ge3A = arith.constant 1 : i32
        %ge3A_135 = arith.cmpi sge, %add3A_115, %ge3A : i32
        %convert_element_type3A_136 = arith.extui %ge3A_135 : i1 to i32
        %cond3A_137 = arith.constant 0 : i32
        %cond3A_138 = arith.cmpi ne, %convert_element_type3A_136, %cond3A_137 : i32
        scf.if %cond3A_138 {
          %dma_wait3A_145 = arith.constant 0 : i32
          %dma_wait3A_146 = tpu.memref_slice %arg7[%add3A_115, %dma_wait3A_145] : memref<40x128xi32, #tpu.memory_space<vmem>> -> memref<1x128xi32, #tpu.memory_space<vmem>>
          %dma_wait3A_147 = tpu.memref_squeeze %dma_wait3A_146 : memref<1x128xi32, #tpu.memory_space<vmem>> -> memref<128xi32, #tpu.memory_space<vmem>>
          %dma_wait3A_148 = arith.constant 0 : i32
          %dma_wait3A_149 = arith.constant 0 : i32
          %dma_wait3A_150 = tpu.memref_slice %arg15[%dma_wait3A_148, %dma_wait3A_149] : memref<10112x128xf32, #tpu.memory_space<vmem_shared>> -> memref<10112x128xf32, #tpu.memory_space<vmem_shared>>
          tpu.wait_indirect_dma semaphore(%arg12 : memref<!tpu.dma_semaphore, #tpu.memory_space<semaphore_mem>>) src(%arg8 : memref<128x128xf32, #tpu.memory_space<vmem>>) dst(%dma_wait3A_150 : memref<10112x128xf32, #tpu.memory_space<vmem_shared>>)
        } else {
        }
        %dma_start3A_139 = arith.constant 0 : i32
        %dma_start3A_140 = tpu.memref_slice %arg6[%add3A_129, %dma_start3A_139] : memref<40x128xi32, #tpu.memory_space<vmem>> -> memref<1x128xi32, #tpu.memory_space<vmem>>
        %dma_start3A_141 = tpu.memref_squeeze %dma_start3A_140 : memref<1x128xi32, #tpu.memory_space<vmem>> -> memref<128xi32, #tpu.memory_space<vmem>>
        %dma_start3A_142 = arith.constant 0 : i32
        %dma_start3A_143 = arith.constant 0 : i32
        %dma_start3A_144 = tpu.memref_slice %arg2[%dma_start3A_142, %dma_start3A_143] : memref<20224x128xf32, #tpu.memory_space<hbm>> -> memref<20224x128xf32, #tpu.memory_space<hbm>>
        tpu.enqueue_indirect_dma source(%dma_start3A_144 : memref<20224x128xf32, #tpu.memory_space<hbm>>) target(%arg8 : memref<128x128xf32, #tpu.memory_space<vmem>>) offsets(%dma_start3A_141 : memref<128xi32, #tpu.memory_space<vmem>>) semaphore(%arg10 : memref<!tpu.dma_semaphore, #tpu.memory_space<semaphore_mem>>)
      } else {
      }
    }
    %scan3A_72 = arith.constant 20 : i32
    %dma_wait3A_73 = arith.constant 0 : i32
    %dma_wait3A_74 = arith.constant 0 : i32
    %dma_wait3A_75 = tpu.memref_slice %arg7[%dma_wait3A_73, %dma_wait3A_74] : memref<40x128xi32, #tpu.memory_space<vmem>> -> memref<1x128xi32, #tpu.memory_space<vmem>>
    %dma_wait3A_76 = tpu.memref_squeeze %dma_wait3A_75 : memref<1x128xi32, #tpu.memory_space<vmem>> -> memref<128xi32, #tpu.memory_space<vmem>>
    %dma_wait3A_77 = arith.constant 0 : i32
    %dma_wait3A_78 = arith.constant 0 : i32
    %dma_wait3A_79 = tpu.memref_slice %arg15[%dma_wait3A_77, %dma_wait3A_78] : memref<10112x128xf32, #tpu.memory_space<vmem_shared>> -> memref<10112x128xf32, #tpu.memory_space<vmem_shared>>
    tpu.wait_indirect_dma semaphore(%arg12 : memref<!tpu.dma_semaphore, #tpu.memory_space<semaphore_mem>>) src(%arg8 : memref<128x128xf32, #tpu.memory_space<vmem>>) dst(%dma_wait3A_79 : memref<10112x128xf32, #tpu.memory_space<vmem_shared>>)
    %dma_wait3A_80 = arith.constant 1 : i32
    %dma_wait3A_81 = arith.constant 0 : i32
    %dma_wait3A_82 = tpu.memref_slice %arg7[%dma_wait3A_80, %dma_wait3A_81] : memref<40x128xi32, #tpu.memory_space<vmem>> -> memref<1x128xi32, #tpu.memory_space<vmem>>
    %dma_wait3A_83 = tpu.memref_squeeze %dma_wait3A_82 : memref<1x128xi32, #tpu.memory_space<vmem>> -> memref<128xi32, #tpu.memory_space<vmem>>
    %dma_wait3A_84 = arith.constant 0 : i32
    %dma_wait3A_85 = arith.constant 0 : i32
    %dma_wait3A_86 = tpu.memref_slice %arg15[%dma_wait3A_84, %dma_wait3A_85] : memref<10112x128xf32, #tpu.memory_space<vmem_shared>> -> memref<10112x128xf32, #tpu.memory_space<vmem_shared>>
    tpu.wait_indirect_dma semaphore(%arg13 : memref<!tpu.dma_semaphore, #tpu.memory_space<semaphore_mem>>) src(%arg9 : memref<128x128xf32, #tpu.memory_space<vmem>>) dst(%dma_wait3A_86 : memref<10112x128xf32, #tpu.memory_space<vmem_shared>>)
    %barrier3A_87 = arith.constant 0 : index
    tpu.barrier barrier_id(%barrier3A_87)
    %mul3A_88 = arith.constant 10112 : i32
    %mul3A_89 = arith.muli %arg0, %mul3A_88 : i32
    %add3A_90 = arith.addi %mul3A_89, %mul3A_0 : i32
    "tpu.region"() ({
      %run_scoped3A = tpu.sem_alloc : memref<!tpu.dma_semaphore, #tpu.memory_space<semaphore_mem>>
      %dma_start3A_91 = arith.constant 0 : i32
      %dma_start3A_92 = tpu.memref_slice %arg5[%add3A_90, %dma_start3A_91] : memref<20224x128xf32, #tpu.memory_space<hbm>> -> memref<632x128xf32, #tpu.memory_space<hbm>>
      %dma_start3A_93 = arith.constant 0 : i32
      %dma_start3A_94 = tpu.memref_slice %arg15[%mul3A_0, %dma_start3A_93] : memref<10112x128xf32, #tpu.memory_space<vmem_shared>> -> memref<632x128xf32, #tpu.memory_space<vmem_shared>>
      tpu.enqueue_dma source(%dma_start3A_94 : memref<632x128xf32, #tpu.memory_space<vmem_shared>>) target(%dma_start3A_92 : memref<632x128xf32, #tpu.memory_space<hbm>>) target_semaphore(%run_scoped3A : memref<!tpu.dma_semaphore, #tpu.memory_space<semaphore_mem>>)
      %dma_wait3A_95 = arith.constant 0 : i32
      %dma_wait3A_96 = tpu.memref_slice %arg5[%add3A_90, %dma_wait3A_95] : memref<20224x128xf32, #tpu.memory_space<hbm>> -> memref<632x128xf32, #tpu.memory_space<hbm>>
      %dma_wait3A_97 = arith.constant 0 : i32
      %dma_wait3A_98 = tpu.memref_slice %arg15[%mul3A_0, %dma_wait3A_97] : memref<10112x128xf32, #tpu.memory_space<vmem_shared>> -> memref<632x128xf32, #tpu.memory_space<vmem_shared>>
      tpu.wait_dma2 semaphore(%run_scoped3A : memref<!tpu.dma_semaphore, #tpu.memory_space<semaphore_mem>>) src(%dma_wait3A_98 : memref<632x128xf32, #tpu.memory_space<vmem_shared>>) dst(%dma_wait3A_96 : memref<632x128xf32, #tpu.memory_space<hbm>>)
      tpu.yield
    }) : () -> ()
    return
  }
}

module attributes {stable_mosaic.version = 14 : i64} {
  func.func @_bn0_body(%arg0: memref<10000x256xf32, #tpu.memory_space<vmem>>, %arg1: memref<1x256xf32, #tpu.memory_space<vmem>>, %arg2: memref<1x256xf32, #tpu.memory_space<vmem>>, %arg3: memref<20224x128xf32, #tpu.memory_space<vmem>>) attributes {dimension_semantics = [], scalar_prefetch = 0 : i64, scratch_operands = 0 : i64, tpu.core_type = #tpu.core_type<tc>} {
    %get3A = arith.constant 0 : index
    %get3A_0 = arith.constant 0 : index
    %get3A_1 = vector.load %arg0[%get3A, %get3A_0] : memref<10000x256xf32, #tpu.memory_space<vmem>>, vector<10000x256xf32>
    %reduce_sum3A = arith.constant dense<0.000000e+00> : vector<256xf32>
    %reduce_sum3A_2 = vector.multi_reduction <add>, %get3A_1, %reduce_sum3A [0] : vector<10000x256xf32> to vector<256xf32>
    %broadcast_in_dim3A = vector.shape_cast %reduce_sum3A_2 : vector<256xf32> to vector<1x256xf32>
    %div3A = arith.constant 1.000000e+04 : f32
    %div3A_3 = vector.broadcast %div3A : f32 to vector<1x256xf32>
    %div3A_4 = arith.divf %broadcast_in_dim3A, %div3A_3 : vector<1x256xf32>
    %sub3A = vector.broadcast %div3A_4 : vector<1x256xf32> to vector<10000x256xf32>
    %sub3A_5 = arith.subf %get3A_1, %sub3A : vector<10000x256xf32>
    %integer_pow3A = arith.mulf %sub3A_5, %sub3A_5 : vector<10000x256xf32>
    %reduce_sum3A_6 = arith.constant dense<0.000000e+00> : vector<256xf32>
    %reduce_sum3A_7 = vector.multi_reduction <add>, %integer_pow3A, %reduce_sum3A_6 [0] : vector<10000x256xf32> to vector<256xf32>
    %broadcast_in_dim3A_8 = vector.shape_cast %reduce_sum3A_7 : vector<256xf32> to vector<1x256xf32>
    %div3A_9 = arith.constant 1.000000e+04 : f32
    %div3A_10 = vector.broadcast %div3A_9 : f32 to vector<1x256xf32>
    %div3A_11 = arith.divf %broadcast_in_dim3A_8, %div3A_10 : vector<1x256xf32>
    %sub3A_12 = vector.broadcast %div3A_4 : vector<1x256xf32> to vector<10000x256xf32>
    %sub3A_13 = arith.subf %get3A_1, %sub3A_12 : vector<10000x256xf32>
    %add3A = arith.constant 9.99999974E-6 : f32
    %add3A_14 = vector.broadcast %add3A : f32 to vector<1x256xf32>
    %add3A_15 = arith.addf %div3A_11, %add3A_14 : vector<1x256xf32>
    %sqrt3A = math.sqrt %add3A_15 : vector<1x256xf32>
    %div3A_16 = vector.broadcast %sqrt3A : vector<1x256xf32> to vector<10000x256xf32>
    %div3A_17 = arith.divf %sub3A_13, %div3A_16 : vector<10000x256xf32>
    %get3A_18 = arith.constant 0 : index
    %get3A_19 = arith.constant 0 : index
    %get3A_20 = vector.load %arg1[%get3A_18, %get3A_19] : memref<1x256xf32, #tpu.memory_space<vmem>>, vector<1x256xf32>
    %mul3A = vector.broadcast %get3A_20 : vector<1x256xf32> to vector<10000x256xf32>
    %mul3A_21 = arith.mulf %div3A_17, %mul3A : vector<10000x256xf32>
    %get3A_22 = arith.constant 0 : index
    %get3A_23 = arith.constant 0 : index
    %get3A_24 = vector.load %arg2[%get3A_22, %get3A_23] : memref<1x256xf32, #tpu.memory_space<vmem>>, vector<1x256xf32>
    %add3A_25 = vector.broadcast %get3A_24 : vector<1x256xf32> to vector<10000x256xf32>
    %add3A_26 = arith.addf %mul3A_21, %add3A_25 : vector<10000x256xf32>
    %slice3A = vector.extract_strided_slice %add3A_26 {offsets = [0, 0], sizes = [10000, 128], strides = [1, 1]} : vector<10000x256xf32> to vector<10000x128xf32>
    %swap3A = arith.constant 0 : index
    %swap3A_27 = arith.constant 0 : index
    %swap3A_28 = vector.load %arg3[%swap3A, %swap3A_27] : memref<20224x128xf32, #tpu.memory_space<vmem>>, vector<10000x128xf32>
    tpu.vector_store %arg3[%swap3A, %swap3A_27], %slice3A {strides = array<i32>} : memref<20224x128xf32, #tpu.memory_space<vmem>>, vector<10000x128xf32>,
    %slice3A_29 = vector.extract_strided_slice %add3A_26 {offsets = [0, 128], sizes = [10000, 128], strides = [1, 1]} : vector<10000x256xf32> to vector<10000x128xf32>
    %swap3A_30 = arith.constant 10112 : index
    %swap3A_31 = arith.constant 0 : index
    %swap3A_32 = vector.load %arg3[%swap3A_30, %swap3A_31] : memref<20224x128xf32, #tpu.memory_space<vmem>>, vector<10000x128xf32>
    tpu.vector_store %arg3[%swap3A_30, %swap3A_31], %slice3A_29 {strides = array<i32>} : memref<20224x128xf32, #tpu.memory_space<vmem>>, vector<10000x128xf32>,
    return
  }
}

module attributes {stable_mosaic.version = 14 : i64} {
  func.func @_mlp_body(%arg0: memref<20224x128xf32, #tpu.memory_space<vmem>>, %arg1: memref<256x256xf32, #tpu.memory_space<vmem>>, %arg2: memref<1x256xf32, #tpu.memory_space<vmem>>, %arg3: memref<1x256xf32, #tpu.memory_space<vmem>>, %arg4: memref<1x256xf32, #tpu.memory_space<vmem>>, %arg5: memref<256x256xf32, #tpu.memory_space<vmem>>, %arg6: memref<1x256xf32, #tpu.memory_space<vmem>>, %arg7: memref<20224x128xf32, #tpu.memory_space<vmem>>) attributes {dimension_semantics = [], scalar_prefetch = 0 : i64, scratch_operands = 0 : i64, tpu.core_type = #tpu.core_type<tc>} {
    %get3A = arith.constant 0 : index
    %get3A_0 = arith.constant 0 : index
    %get3A_1 = vector.load %arg0[%get3A, %get3A_0] : memref<20224x128xf32, #tpu.memory_space<vmem>>, vector<10000x128xf32>
    %get3A_2 = arith.constant 0 : index
    %get3A_3 = arith.constant 0 : index
    %get3A_4 = vector.load %arg1[%get3A_2, %get3A_3] : memref<256x256xf32, #tpu.memory_space<vmem>>, vector<128x256xf32>
    %dot_general3A = arith.constant dense<0.000000e+00> : vector<10000x256xf32>
    %dot_general3A_5 = tpu.matmul %get3A_1, %get3A_4, %dot_general3A {dimension_numbers = #tpu.dot_dimension_numbers<[1], [0], [0], [1], [0, 0, 1, 1], [], []>, transpose_lhs_hint = false} : vector<10000x128xf32>, vector<128x256xf32>, vector<10000x256xf32> -> vector<10000x256xf32>
    %get3A_6 = arith.constant 10112 : index
    %get3A_7 = arith.constant 0 : index
    %get3A_8 = vector.load %arg0[%get3A_6, %get3A_7] : memref<20224x128xf32, #tpu.memory_space<vmem>>, vector<10000x128xf32>
    %get3A_9 = arith.constant 128 : index
    %get3A_10 = arith.constant 0 : index
    %get3A_11 = vector.load %arg1[%get3A_9, %get3A_10] : memref<256x256xf32, #tpu.memory_space<vmem>>, vector<128x256xf32>
    %dot_general3A_12 = arith.constant dense<0.000000e+00> : vector<10000x256xf32>
    %dot_general3A_13 = tpu.matmul %get3A_8, %get3A_11, %dot_general3A_12 {dimension_numbers = #tpu.dot_dimension_numbers<[1], [0], [0], [1], [0, 0, 1, 1], [], []>, transpose_lhs_hint = false} : vector<10000x128xf32>, vector<128x256xf32>, vector<10000x256xf32> -> vector<10000x256xf32>
    %add3A = arith.addf %dot_general3A_5, %dot_general3A_13 : vector<10000x256xf32>
    %get3A_14 = arith.constant 0 : index
    %get3A_15 = arith.constant 0 : index
    %get3A_16 = vector.load %arg2[%get3A_14, %get3A_15] : memref<1x256xf32, #tpu.memory_space<vmem>>, vector<1x256xf32>
    %add3A_17 = vector.broadcast %get3A_16 : vector<1x256xf32> to vector<10000x256xf32>
    %add3A_18 = arith.addf %add3A, %add3A_17 : vector<10000x256xf32>
    %reduce_sum3A = arith.constant dense<0.000000e+00> : vector<256xf32>
    %reduce_sum3A_19 = vector.multi_reduction <add>, %add3A_18, %reduce_sum3A [0] : vector<10000x256xf32> to vector<256xf32>
    %broadcast_in_dim3A = vector.shape_cast %reduce_sum3A_19 : vector<256xf32> to vector<1x256xf32>
    %div3A = arith.constant 1.000000e+04 : f32
    %div3A_20 = vector.broadcast %div3A : f32 to vector<1x256xf32>
    %div3A_21 = arith.divf %broadcast_in_dim3A, %div3A_20 : vector<1x256xf32>
    %sub3A = vector.broadcast %div3A_21 : vector<1x256xf32> to vector<10000x256xf32>
    %sub3A_22 = arith.subf %add3A_18, %sub3A : vector<10000x256xf32>
    %integer_pow3A = arith.mulf %sub3A_22, %sub3A_22 : vector<10000x256xf32>
    %reduce_sum3A_23 = arith.constant dense<0.000000e+00> : vector<256xf32>
    %reduce_sum3A_24 = vector.multi_reduction <add>, %integer_pow3A, %reduce_sum3A_23 [0] : vector<10000x256xf32> to vector<256xf32>
    %broadcast_in_dim3A_25 = vector.shape_cast %reduce_sum3A_24 : vector<256xf32> to vector<1x256xf32>
    %div3A_26 = arith.constant 1.000000e+04 : f32
    %div3A_27 = vector.broadcast %div3A_26 : f32 to vector<1x256xf32>
    %div3A_28 = arith.divf %broadcast_in_dim3A_25, %div3A_27 : vector<1x256xf32>
    %sub3A_29 = vector.broadcast %div3A_21 : vector<1x256xf32> to vector<10000x256xf32>
    %sub3A_30 = arith.subf %add3A_18, %sub3A_29 : vector<10000x256xf32>
    %add3A_31 = arith.constant 9.99999974E-6 : f32
    %add3A_32 = vector.broadcast %add3A_31 : f32 to vector<1x256xf32>
    %add3A_33 = arith.addf %div3A_28, %add3A_32 : vector<1x256xf32>
    %sqrt3A = math.sqrt %add3A_33 : vector<1x256xf32>
    %div3A_34 = vector.broadcast %sqrt3A : vector<1x256xf32> to vector<10000x256xf32>
    %div3A_35 = arith.divf %sub3A_30, %div3A_34 : vector<10000x256xf32>
    %get3A_36 = arith.constant 0 : index
    %get3A_37 = arith.constant 0 : index
    %get3A_38 = vector.load %arg3[%get3A_36, %get3A_37] : memref<1x256xf32, #tpu.memory_space<vmem>>, vector<1x256xf32>
    %mul3A = vector.broadcast %get3A_38 : vector<1x256xf32> to vector<10000x256xf32>
    %mul3A_39 = arith.mulf %div3A_35, %mul3A : vector<10000x256xf32>
    %get3A_40 = arith.constant 0 : index
    %get3A_41 = arith.constant 0 : index
    %get3A_42 = vector.load %arg4[%get3A_40, %get3A_41] : memref<1x256xf32, #tpu.memory_space<vmem>>, vector<1x256xf32>
    %add3A_43 = vector.broadcast %get3A_42 : vector<1x256xf32> to vector<10000x256xf32>
    %add3A_44 = arith.addf %mul3A_39, %add3A_43 : vector<10000x256xf32>
    %max3A = arith.constant 0.000000e+00 : f32
    %max3A_45 = vector.broadcast %max3A : f32 to vector<10000x256xf32>
    %max3A_46 = arith.maximumf %add3A_44, %max3A_45 : vector<10000x256xf32>
    %get3A_47 = arith.constant 0 : index
    %get3A_48 = arith.constant 0 : index
    %get3A_49 = vector.load %arg5[%get3A_47, %get3A_48] : memref<256x256xf32, #tpu.memory_space<vmem>>, vector<256x256xf32>
    %dot_general3A_50 = arith.constant dense<0.000000e+00> : vector<10000x256xf32>
    %dot_general3A_51 = tpu.matmul %max3A_46, %get3A_49, %dot_general3A_50 {dimension_numbers = #tpu.dot_dimension_numbers<[1], [0], [0], [1], [0, 0, 1, 1], [], []>, transpose_lhs_hint = false} : vector<10000x256xf32>, vector<256x256xf32>, vector<10000x256xf32> -> vector<10000x256xf32>
    %get3A_52 = arith.constant 0 : index
    %get3A_53 = arith.constant 0 : index
    %get3A_54 = vector.load %arg6[%get3A_52, %get3A_53] : memref<1x256xf32, #tpu.memory_space<vmem>>, vector<1x256xf32>
    %add3A_55 = vector.broadcast %get3A_54 : vector<1x256xf32> to vector<10000x256xf32>
    %add3A_56 = arith.addf %dot_general3A_51, %add3A_55 : vector<10000x256xf32>
    %max3A_57 = arith.constant 0.000000e+00 : f32
    %max3A_58 = vector.broadcast %max3A_57 : f32 to vector<10000x256xf32>
    %max3A_59 = arith.maximumf %add3A_56, %max3A_58 : vector<10000x256xf32>
    %slice3A = vector.extract_strided_slice %max3A_59 {offsets = [0, 0], sizes = [10000, 128], strides = [1, 1]} : vector<10000x256xf32> to vector<10000x128xf32>
    %swap3A = arith.constant 0 : index
    %swap3A_60 = arith.constant 0 : index
    %swap3A_61 = vector.load %arg7[%swap3A, %swap3A_60] : memref<20224x128xf32, #tpu.memory_space<vmem>>, vector<10000x128xf32>
    tpu.vector_store %arg7[%swap3A, %swap3A_60], %slice3A {strides = array<i32>} : memref<20224x128xf32, #tpu.memory_space<vmem>>, vector<10000x128xf32>,
    %slice3A_62 = vector.extract_strided_slice %max3A_59 {offsets = [0, 128], sizes = [10000, 128], strides = [1, 1]} : vector<10000x256xf32> to vector<10000x128xf32>
    %swap3A_63 = arith.constant 10112 : index
    %swap3A_64 = arith.constant 0 : index
    %swap3A_65 = vector.load %arg7[%swap3A_63, %swap3A_64] : memref<20224x128xf32, #tpu.memory_space<vmem>>, vector<10000x128xf32>
    tpu.vector_store %arg7[%swap3A_63, %swap3A_64], %slice3A_62 {strides = array<i32>} : memref<20224x128xf32, #tpu.memory_space<vmem>>, vector<10000x128xf32>,
    return
  }
}

module attributes {stable_mosaic.version = 14 : i64} {
  func.func @_mlp_body(%arg0: memref<20224x128xf32, #tpu.memory_space<vmem>>, %arg1: memref<256x256xf32, #tpu.memory_space<vmem>>, %arg2: memref<1x256xf32, #tpu.memory_space<vmem>>, %arg3: memref<1x256xf32, #tpu.memory_space<vmem>>, %arg4: memref<1x256xf32, #tpu.memory_space<vmem>>, %arg5: memref<256x256xf32, #tpu.memory_space<vmem>>, %arg6: memref<1x256xf32, #tpu.memory_space<vmem>>, %arg7: memref<10000x256xf32, #tpu.memory_space<vmem>>) attributes {dimension_semantics = [], scalar_prefetch = 0 : i64, scratch_operands = 0 : i64, tpu.core_type = #tpu.core_type<tc>} {
    %get3A = arith.constant 0 : index
    %get3A_0 = arith.constant 0 : index
    %get3A_1 = vector.load %arg0[%get3A, %get3A_0] : memref<20224x128xf32, #tpu.memory_space<vmem>>, vector<10000x128xf32>
    %get3A_2 = arith.constant 0 : index
    %get3A_3 = arith.constant 0 : index
    %get3A_4 = vector.load %arg1[%get3A_2, %get3A_3] : memref<256x256xf32, #tpu.memory_space<vmem>>, vector<128x256xf32>
    %dot_general3A = arith.constant dense<0.000000e+00> : vector<10000x256xf32>
    %dot_general3A_5 = tpu.matmul %get3A_1, %get3A_4, %dot_general3A {dimension_numbers = #tpu.dot_dimension_numbers<[1], [0], [0], [1], [0, 0, 1, 1], [], []>, transpose_lhs_hint = false} : vector<10000x128xf32>, vector<128x256xf32>, vector<10000x256xf32> -> vector<10000x256xf32>
    %get3A_6 = arith.constant 10112 : index
    %get3A_7 = arith.constant 0 : index
    %get3A_8 = vector.load %arg0[%get3A_6, %get3A_7] : memref<20224x128xf32, #tpu.memory_space<vmem>>, vector<10000x128xf32>
    %get3A_9 = arith.constant 128 : index
    %get3A_10 = arith.constant 0 : index
    %get3A_11 = vector.load %arg1[%get3A_9, %get3A_10] : memref<256x256xf32, #tpu.memory_space<vmem>>, vector<128x256xf32>
    %dot_general3A_12 = arith.constant dense<0.000000e+00> : vector<10000x256xf32>
    %dot_general3A_13 = tpu.matmul %get3A_8, %get3A_11, %dot_general3A_12 {dimension_numbers = #tpu.dot_dimension_numbers<[1], [0], [0], [1], [0, 0, 1, 1], [], []>, transpose_lhs_hint = false} : vector<10000x128xf32>, vector<128x256xf32>, vector<10000x256xf32> -> vector<10000x256xf32>
    %add3A = arith.addf %dot_general3A_5, %dot_general3A_13 : vector<10000x256xf32>
    %get3A_14 = arith.constant 0 : index
    %get3A_15 = arith.constant 0 : index
    %get3A_16 = vector.load %arg2[%get3A_14, %get3A_15] : memref<1x256xf32, #tpu.memory_space<vmem>>, vector<1x256xf32>
    %add3A_17 = vector.broadcast %get3A_16 : vector<1x256xf32> to vector<10000x256xf32>
    %add3A_18 = arith.addf %add3A, %add3A_17 : vector<10000x256xf32>
    %reduce_sum3A = arith.constant dense<0.000000e+00> : vector<256xf32>
    %reduce_sum3A_19 = vector.multi_reduction <add>, %add3A_18, %reduce_sum3A [0] : vector<10000x256xf32> to vector<256xf32>
    %broadcast_in_dim3A = vector.shape_cast %reduce_sum3A_19 : vector<256xf32> to vector<1x256xf32>
    %div3A = arith.constant 1.000000e+04 : f32
    %div3A_20 = vector.broadcast %div3A : f32 to vector<1x256xf32>
    %div3A_21 = arith.divf %broadcast_in_dim3A, %div3A_20 : vector<1x256xf32>
    %sub3A = vector.broadcast %div3A_21 : vector<1x256xf32> to vector<10000x256xf32>
    %sub3A_22 = arith.subf %add3A_18, %sub3A : vector<10000x256xf32>
    %integer_pow3A = arith.mulf %sub3A_22, %sub3A_22 : vector<10000x256xf32>
    %reduce_sum3A_23 = arith.constant dense<0.000000e+00> : vector<256xf32>
    %reduce_sum3A_24 = vector.multi_reduction <add>, %integer_pow3A, %reduce_sum3A_23 [0] : vector<10000x256xf32> to vector<256xf32>
    %broadcast_in_dim3A_25 = vector.shape_cast %reduce_sum3A_24 : vector<256xf32> to vector<1x256xf32>
    %div3A_26 = arith.constant 1.000000e+04 : f32
    %div3A_27 = vector.broadcast %div3A_26 : f32 to vector<1x256xf32>
    %div3A_28 = arith.divf %broadcast_in_dim3A_25, %div3A_27 : vector<1x256xf32>
    %sub3A_29 = vector.broadcast %div3A_21 : vector<1x256xf32> to vector<10000x256xf32>
    %sub3A_30 = arith.subf %add3A_18, %sub3A_29 : vector<10000x256xf32>
    %add3A_31 = arith.constant 9.99999974E-6 : f32
    %add3A_32 = vector.broadcast %add3A_31 : f32 to vector<1x256xf32>
    %add3A_33 = arith.addf %div3A_28, %add3A_32 : vector<1x256xf32>
    %sqrt3A = math.sqrt %add3A_33 : vector<1x256xf32>
    %div3A_34 = vector.broadcast %sqrt3A : vector<1x256xf32> to vector<10000x256xf32>
    %div3A_35 = arith.divf %sub3A_30, %div3A_34 : vector<10000x256xf32>
    %get3A_36 = arith.constant 0 : index
    %get3A_37 = arith.constant 0 : index
    %get3A_38 = vector.load %arg3[%get3A_36, %get3A_37] : memref<1x256xf32, #tpu.memory_space<vmem>>, vector<1x256xf32>
    %mul3A = vector.broadcast %get3A_38 : vector<1x256xf32> to vector<10000x256xf32>
    %mul3A_39 = arith.mulf %div3A_35, %mul3A : vector<10000x256xf32>
    %get3A_40 = arith.constant 0 : index
    %get3A_41 = arith.constant 0 : index
    %get3A_42 = vector.load %arg4[%get3A_40, %get3A_41] : memref<1x256xf32, #tpu.memory_space<vmem>>, vector<1x256xf32>
    %add3A_43 = vector.broadcast %get3A_42 : vector<1x256xf32> to vector<10000x256xf32>
    %add3A_44 = arith.addf %mul3A_39, %add3A_43 : vector<10000x256xf32>
    %max3A = arith.constant 0.000000e+00 : f32
    %max3A_45 = vector.broadcast %max3A : f32 to vector<10000x256xf32>
    %max3A_46 = arith.maximumf %add3A_44, %max3A_45 : vector<10000x256xf32>
    %get3A_47 = arith.constant 0 : index
    %get3A_48 = arith.constant 0 : index
    %get3A_49 = vector.load %arg5[%get3A_47, %get3A_48] : memref<256x256xf32, #tpu.memory_space<vmem>>, vector<256x256xf32>
    %dot_general3A_50 = arith.constant dense<0.000000e+00> : vector<10000x256xf32>
    %dot_general3A_51 = tpu.matmul %max3A_46, %get3A_49, %dot_general3A_50 {dimension_numbers = #tpu.dot_dimension_numbers<[1], [0], [0], [1], [0, 0, 1, 1], [], []>, transpose_lhs_hint = false} : vector<10000x256xf32>, vector<256x256xf32>, vector<10000x256xf32> -> vector<10000x256xf32>
    %get3A_52 = arith.constant 0 : index
    %get3A_53 = arith.constant 0 : index
    %get3A_54 = vector.load %arg6[%get3A_52, %get3A_53] : memref<1x256xf32, #tpu.memory_space<vmem>>, vector<1x256xf32>
    %add3A_55 = vector.broadcast %get3A_54 : vector<1x256xf32> to vector<10000x256xf32>
    %add3A_56 = arith.addf %dot_general3A_51, %add3A_55 : vector<10000x256xf32>
    %max3A_57 = arith.constant 0.000000e+00 : f32
    %max3A_58 = vector.broadcast %max3A_57 : f32 to vector<10000x256xf32>
    %max3A_59 = arith.maximumf %add3A_56, %max3A_58 : vector<10000x256xf32>
    %swap3A = arith.constant 0 : index
    %swap3A_60 = arith.constant 0 : index
    %swap3A_61 = vector.load %arg7[%swap3A, %swap3A_60] : memref<10000x256xf32, #tpu.memory_space<vmem>>, vector<10000x256xf32>
    tpu.vector_store %arg7[%swap3A, %swap3A_60], %max3A_59 {strides = array<i32>} : memref<10000x256xf32, #tpu.memory_space<vmem>>, vector<10000x256xf32>,
    return
  }
}

</mosaic_0001>

<sc_bundles>
// kernel: kernel.10.cloned.1.call-start
scs
__scs_entry_jumppad:
0x0: {  	(pc) =	sbr.rel $0x88, $3  }
0x1: {  	(tag) =	ssettag $0x0;
	lr =	simm.s32 $0x1  }
0x2: {  	[smem:$0x3F91] =	sst lr;
	_ =	strace $0xD0000000  }
0x3: {  	_ = 	snop  }
0x4: {  	_ = 	snop  }
0x5: {  	_ = 	snop  }
0x6: {  	_ = 	snop  }
0x7: {  	_ = 	snop  }
__scs_overlays_trampoline_lowered:
0x8: {  	[smem:$0x3FA0] =	sst s0  }
0x9: {  	[smem:$0x3FA1] =	sst s1  }
0xa: {  	[smem:$0x3FA2] =	sst s2  }
0xb: {  	[smem:$0x3FA3] =	sst s3  }
0xc: {  	[smem:$0x3FA4] =	sst s4  }
0xd: {  	[smem:$0x3FA5] =	sst s5  }
0xe: {  	[smem:$0x3FA6] =	sst s6  }
0xf: {  	[smem:$0x3FA7] =	sst s7  }
0x10: {  	[smem:$0x3FA8] =	sst s8  }
0x11: {  	[smem:$0x3FA9] =	sst s9;
	s0 =	simm.s32 @!p0 $0x0  }
0x12: {  	s1 =	sld [smem:$0x3F8F];
	s0 =	simm.s32 @p0 $0x1  }
0x13: {  	[smem:$0x3FAA] =	sst s0;
	s0 =	simm.s32 @!p1 $0x0  }
0x14: {  	s2 =	sld [smem:$0x3F8E];
	s0 =	simm.s32 @p1 $0x1  }
0x15: {  	[smem:$0x3FAB] =	sst s0;
	s0 =	simm.s32 @!p2 $0x0  }
0x16: {  	s3 =	sld [smem:$0x3FDB];
	s0 =	simm.s32 @p2 $0x1  }
0x17: {  	s4 =	simm.s32 $0x1BF5;
	[smem:$0x3FAD] =	sst s0  }
0x18: {  	s0 =	sld [smem:$0x3F90];
	_ =	swait.ge [sflag:s4], $0x0  }
0x19: {  	s7 =	sld [smem:$0x3F91]  }
0x1a: {  	s8 =	sadd.s32 $0xFFFFE003, lr  }
0x1b: {  	s9 =	sadd.s32 $0xFFFFFEF7, lr;
	s5 =	simm.s32 $0xFFFFFFFF;
	p2 =	slt.u32 s8, $0xFFFFF086  }
0x1c: {  	p1 =	slt.u32 s9, $0xF7A;
	s5 =	simm.s32 @!p2 $0x0  }
0x1d: {  	s5 =	simm.s32 @p1 $0x1;
	p0 =	seq.s32 s7, s2  }
0x1e: {  	s7 =	smul.u32 @!p0 $0xF7A, s2;
	p2 =	seq.s32 @!p0 s5, $0x0  }
0x1f: {  	s9 =	smul.u32 $0xF7A, s1;
	s8 =	simm.s32 @!p0 $0x1BF5;
	p2 =	por !p2, p0  }
0x20: {  	[sflag:s8] =	ssyncset.s32 @!p0 $0xFFFFF086;
	s6 =	sadd.s32 @!p0 s3, s7;
	s7 =	simm.s32 @!p0 $0x108  }
0x21: {  	s3 =	sadd.s32 s3, s9;
	s6 =	sadd.s32 @!p0 $0x88, s6;
	s7 =	simm.s32 @p2 $0x1082  }
0x22: {  	[simem:s7], [sflag:s8] =	dma.local @!p0 [hbm:s6], $0xF7A  }
0x23: {  	s9 =	sor.u32 $0xD0000000, s2;
	s6 =	simm.s32 $0x108;
	_ =	swait.ge @!p0 [sflag:s8], $0x0  }
0x24: {  	s3 =	sadd.s32 $0x88, s3;
	s6 =	simm.s32 @!p1 $0x1082;
	[sflag:s4] =	ssyncset.s32 $0xFFFFF086  }
0x25: {  	[simem:s6], [sflag:s4] =	dma.local [hbm:s3], $0xF7A  }
0x26: {  	[smem:$0x3F91] =	sst s1;
	(tag) =	ssettag s2;
	_ =	strace s9  }
0x27: {  	s1 =	sld [smem:$0x3FA1]  }
0x28: {  	s2 =	sld [smem:$0x3FA2]  }
0x29: {  	s4 =	sld [smem:$0x3FA4]  }
0x2a: {  	p0 =	seq.s32 s5, $0x0;
	s5 =	sld [smem:$0x3FA5]  }
0x2b: {  	s6 =	sld [smem:$0x3FA6]  }
0x2c: {  	s7 =	sld [smem:$0x3FA7]  }
0x2d: {  	s3 =	simm.s32 $0x108;
	s8 =	sld [smem:$0x3FA8]  }
0x2e: {  	s3 =	simm.s32 @!p0 $0x1082;
	s9 =	sld [smem:$0x3FA9]  }
0x2f: {  	lr =	sadd.s32 s0, s3;
	s0 =	sld [smem:$0x3FA0]  }
0x30: {  	s3 =	sld [smem:$0x3FA3]  }
0x31: {  	[smem:$0x3FAC] =	sst s10  }
0x32: {  	s10 =	sld [smem:$0x3FAA];
	_ =	sdelay $0x3  }
0x33: {  	p0 =	seq.s32 s10, $0x1;
	s10 =	sld [smem:$0x3FAC];
	_ =	sdelay $0x3  }
0x34: {  	[smem:$0x3FAC] =	sst s10  }
0x35: {  	s10 =	sld [smem:$0x3FAB];
	_ =	sdelay $0x3  }
0x36: {  	p1 =	seq.s32 s10, $0x1;
	s10 =	sld [smem:$0x3FAC];
	_ =	sdelay $0x3  }
0x37: {  	[smem:$0x3FAC] =	sst s10  }
0x38: {  	s10 =	sld [smem:$0x3FAD]  }
0x39: {  	_ = 	snop;
	(pc) =	sbr.ind lr, $3  }
0x3a: {  	_ = 	snop  }
0x3b: {  	_ = 	snop  }
0x3c: {  	p2 =	seq.s32 s10, $0x1;
	s10 =	sld [smem:$0x3FAC]  }
0x3d: {  	_ =	shalt  }
0x3e: {  	_ =	shalt  }
0x3f: {  	_ =	shalt  }
0x40: {  	_ =	shalt  }
0x41: {  	_ =	shalt  }
0x42: {  	_ =	shalt  }
0x43: {  	_ =	shalt  }
0x44: {  	_ =	shalt  }
0x45: {  	_ =	shalt  }
0x46: {  	_ =	shalt  }
0x47: {  	_ =	shalt  }
0x48: {  	_ =	shalt  }
0x49: {  	_ =	shalt  }
0x4a: {  	_ =	shalt  }
0x4b: {  	_ =	shalt  }
0x4c: {  	_ =	shalt  }
0x4d: {  	_ =	shalt  }
0x4e: {  	_ =	shalt  }
0x4f: {  	_ =	shalt  }
0x50: {  	_ =	shalt  }
0x51: {  	_ =	shalt  }
0x52: {  	_ =	shalt  }
0x53: {  	_ =	shalt  }
0x54: {  	_ =	shalt  }
0x55: {  	_ =	shalt  }
0x56: {  	_ =	shalt  }
0x57: {  	_ =	shalt  }
0x58: {  	_ =	shalt  }
0x59: {  	_ =	shalt  }
0x5a: {  	_ =	shalt  }
0x5b: {  	_ =	shalt  }
0x5c: {  	_ =	shalt  }
0x5d: {  	_ =	shalt  }
0x5e: {  	_ =	shalt  }
0x5f: {  	_ =	shalt  }
0x60: {  	_ =	shalt  }
0x61: {  	_ =	shalt  }
0x62: {  	_ =	shalt  }
0x63: {  	_ =	shalt  }
0x64: {  	_ =	shalt  }
0x65: {  	_ =	shalt  }
0x66: {  	_ =	shalt  }
0x67: {  	_ =	shalt  }
0x68: {  	_ =	shalt  }
0x69: {  	_ =	shalt  }
0x6a: {  	_ =	shalt  }
0x6b: {  	_ =	shalt  }
0x6c: {  	_ =	shalt  }
0x6d: {  	_ =	shalt  }
0x6e: {  	_ =	shalt  }
0x6f: {  	_ =	shalt  }
0x70: {  	_ =	shalt  }
0x71: {  	_ =	shalt  }
0x72: {  	_ =	shalt  }
0x73: {  	_ =	shalt  }
0x74: {  	_ =	shalt  }
0x75: {  	_ =	shalt  }
0x76: {  	_ =	shalt  }
0x77: {  	_ =	shalt  }
0x78: {  	_ =	shalt  }
0x79: {  	_ =	shalt  }
0x7a: {  	_ =	shalt  }
0x7b: {  	_ =	shalt  }
0x7c: {  	_ =	shalt  }
0x7d: {  	_ =	shalt  }
0x7e: {  	_ =	shalt  }
0x7f: {  	_ =	shalt  }
0x80: {  	_ =	shalt  }
0x81: {  	_ =	shalt  }
0x82: {  	_ =	shalt  }
0x83: {  	_ =	shalt  }
0x84: {  	_ =	shalt  }
0x85: {  	_ =	shalt  }
0x86: {  	_ =	shalt  }
0x87: {  	_ =	shalt  }
.Lfunc_end0:
.L_simem_size_0:
called_computation.1_lowered:
.L_overlay_start_0:
0x88: {  	s2 =	sld [smem:$0x3FD9]  }
0x89: {  	s3 =	sld [smem:$0x3FFE];
	_ =	sdelay $0x1  }
0x8a: {  	s1 =	srdreg.scid  }
0x8b: {  	s0 =	sand.u32 $0x1, s1  }
0x8c: {  	s17 =	sshll.u32 s0, $0xA;
	s2 =	sadd.s32 s3, s2  }
0x8d: {  	s2 =	sadd.s32 s2, s17  }
0x8e: {  	[smem:$0x3FB8] =	sst s2  }
0x8f: {  	_ = 	snop  }
0x90: {  	s2 =	sld [smem:$0x3FD0];
	(tm) =	ssettm $0x1  }
0x91: {  	s18 =	sld [smem:$0x3FFB];
	_ =	sdelay $0x3  }
0x92: {  	_ =	strace s18  }
0x93: {  	s3 =	sld [smem:$0x3FFC];
	_ =	sdelay $0x3  }
0x94: {  	_ =	strace s3  }
0x95: {  	s3 =	sld [smem:$0x3FFD];
	_ =	sdelay $0x3  }
0x96: {  	_ =	strace s3  }
0x97: {  	_ =	strace $0x8FFFFFFF  }
0x98: {  	s19 =	sld [smem:$0x3FDB];
	_ =	sdelay $0x1  }
0x99: {  	s4 =	simm.s32 $_scs_section_size  }
0x9a: {  	s5 =	simm.s32 $_size__tile_overlayer_lowered;
	s6 =	simm.s32 $_tile_overlayer_lowered  }
0x9b: {  	s22 =	simm.s32 $0x1BFF;
	s21 =	sshll.u32 s6, $0x1;
	s3 =	sadd.s32 s4, s19  }
0x9c: {  	s7 =	simm.s32 $0x0;
	s20 =	sshll.u32 s5, $0x1;
	s5 =	sadd.s32 s21, s3  }
0x9d: {  	[timem:s7], [sflag:s22] =	dma.local [hbm:s5], s20  }
0x9e: {  	_ =	swait.ge [sflag:s22], s20  }
0x9f: {  	s4 =	ssub.s32 $0x0, s20;
	[sflag:s22] =	ssyncset.done $0x0  }
0xa0: {  	[sflag:s22] =	ssyncadd.s32 s4;
	_ =	sdelay $0x1  }
0xa1: {  	s23 =	simm.s32 $0x1B8B  }
0xa2: {  	_ =	swait.ge [sflag:s23], $0x1  }
0xa3: {  	[sflag:s23] =	ssyncset.done $0x0  }
0xa4: {  	s25 =	simm.s32 $0x1B8E;
	s24 =	sld [smem:$0x3FFE];
	[sflag:s23] =	ssyncadd.s32 $0xFFFFFFFF  }
0xa5: {  	s26 =	simm.s32 $execute0_lowered;
	[smem:$0x3FD2] =	sst s25  }
0xa6: {  	s5 =	sshll.u32 s26, $0x1;
	_ =	strace $0x80000049;
	[dreg:$0x1] =	wrdreg $0xFFFFFFFF  }
0xa7: {  	s28 =	simm.s32 $_size_execute0_lowered;
	s3 =	sadd.s32 s3, s5;
	[dreg:$0x0] =	wrdreg $0x0  }
0xa8: {  	s5 =	sshll.u32 s28, $0x1;
	[dreg:$0x2] =	wrdreg s3  }
0xa9: {  	[dreg:$0x3] =	wrdreg s5  }
0xaa: {  	[dreg:$0x4] =	wrdreg $0xC0  }
0xab: {  	_ =	task [dreg:s7], $0x5FFFF  }
0xac: {  	[dreg:$0x1] =	wrdreg $0xFFFFFFFF  }
0xad: {  	[dreg:$0x0] =	wrdreg $0x60  }
0xae: {  	[dreg:$0x2] =	wrdreg s24  }
0xaf: {  	[dreg:$0x3] =	wrdreg s2  }
0xb0: {  	[dreg:$0x4] =	wrdreg $0xA8000  }
0xb1: {  	[dreg:$0x5] =	wrdreg $0x9  }
0xb2: {  	_ =	task.clear_ibuf [dreg:s7], $0x6FFFF;
	_ =	strace $0x90000049  }
0xb3: {  	s29 =	simm.s32 $0x9;
	_ =	strace $0x8000004B  }
0xb4: {  	_ =	swait.ge [sflag:s29], $0x1  }
0xb5: {  	[sflag:s29] =	ssyncadd.s32 $0xFFFFFFFF  }
0xb6: {  	_ =	strace $0x9000004B  }
0xb7: {  	_ =	sfence  }
0xb8: {  	s30 =	sld [smem:$0x0];
	_ =	sdelay $0x2  }
0xb9: {  	s31 =	sshll.u32 s1, $0xD;
	s1 =	sshrl.u32 s1, $0x2  }
0xba: {  	s3 =	sand.u32 $0x4000, s31;
	s1 =	sadd.s32 s1, s30  }
0xbb: {  	s0 =	sor.u32 s3, s0;
	s1 =	sshll.u32 s1, $0x11  }
0xbc: {  	s0 =	sor.u32 s1, s0  }
0xbd: {  	s0 =	sadd.s32 $0x8F2B, s0  }
0xbe: {  	[sflag:s0] =	ssyncadd.remote.s32 $0x1  }
0xbf: {  	_ =	sfence.sel $0xFFFF  }
0xc0: {  	[dreg:$0x0] =	wrdreg $0xFFFFFFFF;
	(pc) =	sbr.abs _section_cstart, $3  }
0xc1: {  	[dreg:$0x1] =	wrdreg $0xFFFFFFFF  }
0xc2: {  	_ =	task.clear_ibuf [dreg:s7], $0x2FFFF;
	_ =	strace $0x9FFFFFFF  }
0xc3: {  	(tm) =	ssettm $0x7FFFFFFF  }
tec
execute0_lowered:
.L_overlay_start_1:
0x0: {  	(tag) =	ssettag $0x1  }
0x1: {  	s5 =	rddreg [dreg:$0x0]  }
0x2: {  	s10 =	rddreg [dreg:$0x1];
	s0 =	srdreg.scid  }
0x3: {  	s2 =	rddreg [dreg:$0x2];
	s1 =	stileid.u32;
	s3 =	simm.s32 $0x0  }
0x4: {  	s18 =	simm.s32 $0x2800;
	s19 =	simm.s32 $0x5;
	s20 =	simm.s32 $0x1  }
0x5: {  	s21 =	simm.s32 $0x6800;
	s22 =	simm.s32 $0x2;
	s8 =	smul.u32 $0x278, s1  }
0x6: {  	s23 =	simm.s32 $0x1480;
	s24 =	simm.s32 $0x3;
	s9 =	smul.u32 $0x4F000, s1  }
0x7: {  	s6 =	sand.u32 $0x1, s0;
	s0 =	rddreg [dreg:$0x3];
	s16 =	smul.u32 $0x2800, s1  }
0x8: {  	s28 =	simm.s32 $0x0;
	[smem:$0x7FF] =	sst s3;
	s17 =	smul.u32 $0x500, s1  }
0x9: {  	s4 =	sadd.s32 $0x7600, s5;
	s11 =	sadd.s32 $0x2600, s5;
	s7 =	smul.u32 $0x2780, s6  }
0xa: {  	_ =	strace $0x8000004A;
	s25 =	sshll.u32 s6, $0x4;
	s6 =	ssub.s32 $0x2, s6  }
0xb: {  	s26 =	sshrl.u32 s6, $0x1;
	s29 =	sshrl.u32 s9, $0x2;
	s16 =	sshrl.u32 s16, $0x3  }
0xc: {  	s9 =	sadd.s32 s11, s17;
	s17 =	simm.s32 $0x80;
	s7 =	sadd.s32 s8, s7  }
0xd: {  	s8 =	sor.u32 s1, s25;
	s14 =	ssub.s32 s6, s26;
	s15 =	sadd.s32 s29, s2  }
0xe: {  	s11 =	sadd.s32 s11, s16;
	s16 =	simm.s32 $0x1400;
	s13 =	smul.u32 $0x500, s8  }
0xf: {  	s25 =	simm.s32 $0x100;
	s26 =	simm.s32 $0x4;
	s30 =	smul.u32 $0x2800, s8  }
.Ltmp0:
0x10: {  	s7 =	sshll.u32 s7, $0x4;
	s11 =	sadd.s32 $0x280, s11;
	(pc) =	sbr.rel .LBB2_1-.Ltmp0, $4  }
0x11: {  	s12 =	sadd.s32 s7, s5;
	s5 =	sshll.u32 s1, $0x6;
	s6 =	sadd.s32 s4, s7  }
0x12: {  	s7 =	sor.u32 $0x1C05, s5;
	s8 =	sadd.s32 s10, s13;
	s31 =	sshrl.u32 s30, $0x3  }
0x13: {  	s12 =	sadd.s32 $0x56600, s12;
	s13 =	smax.u32 s14, $0x1;
	s10 =	sadd.s32 s10, s31  }
0x14: {  	s14 =	sshrl.u32 s15, $0x3;
	s15 =	simm.s32 $0x6;
	s10 =	sadd.s32 $0x280, s10  }
.LBB2_7:
0x15: {  	_ =	swait.ge [sflag:s26], $0x4000  }
0x16: {  	s28 =	sadd.s32 $0x1, s28;
	[sflag:s26] =	ssyncset.done $0x0  }
0x17: {  	p0 =	sne.s32 s28, s13;
	[sflag:s26] =	ssyncadd.s32 $0xFFFFC000  }
.Ltmp1:
0x18: {  	s29 =	sor.u32 $0x1C06, s5;
	[bflag:$0x0] =	sbarrier.arrive $0xFFFF;
	(pc) =	sbr.rel @!p0 .LBB2_8-.Ltmp1, $4  }
0x19: {  	[hbm:s12], [sflag:s29] =	dma.local [spmem:s14], $0x2780  }
0x1a: {  	_ =	swait.ge [sflag:s15], $0x2780  }
0x1b: {  	[sflag:s15] =	ssyncset.done $0x0  }
0x1c: {  	[sflag:s15] =	ssyncadd.s32 $0xFFFFD880  }
.LBB2_1:
0x1d: {  	[spmem:s14], [sflag:s7] =	dma.local [hbm:s6], $0x2780  }
0x1e: {  	[tilespmem:s3], [sflag:$0x6] =	stream.linear.gather [hbm4b:s8+s3], $0x1400, $0x38;
	[tilespmem:$0x1E400] =	vst v63  }
0x1f: {  	_ =	swait.ge [sflag:s15], $0x1400  }
0x20: {  	[sflag:s15] =	ssyncset.done $0x0  }
0x21: {  	[sflag:s15] =	ssyncadd.s32 $0xFFFFEC00  }
0x22: {  	[tilespmem:s16], [sflag:$0x6] =	stream.linear.gather [hbm4b:s9+s3], $0x1400, $0x38;
	[tilespmem:$0x1E400] =	vst v63  }
0x23: {  	_ =	swait.ge [sflag:s15], $0x1400  }
0x24: {  	[sflag:s15] =	ssyncset.done $0x0  }
0x25: {  	[sflag:s15] =	ssyncadd.s32 $0xFFFFEC00  }
0x26: {  	[tilespmem:s18], [sflag:$0x1] =	stream.indirect.gather [hbm4b:s4+s17], $0x80, s3, s17, $0xb8;
	[tilespmem:$0x1E400] =	vst v63  }
0x27: {  	_ =	swait.ge [sflag:s19], $0x2780  }
0x28: {  	[sflag:s19] =	ssyncset.done $0x0  }
0x29: {  	[sflag:s19] =	ssyncadd.s32 $0xFFFFD880  }
0x2a: {  	[bflag:$0x0] =	sbarrier.arrive $0xFFFF  }
0x2b: {  	_ =	swait.ge [sflag:s20], $0x4000  }
0x2c: {  	[sflag:s20] =	ssyncset.done $0x0  }
0x2d: {  	[sflag:s20] =	ssyncadd.s32 $0xFFFFC000  }
0x2e: {  	[spmem:s2] =	stream.indirect.scatter.add.f32 [tilespmem:s18], [sflag:$0x3], $0x80, s16, s17, $0xb8;
	[tilespmem:$0x1E400] =	vst v63  }
0x2f: {  	_ = 	snop  }
0x30: {  	[tilespmem:s21], [sflag:$0x2] =	stream.indirect.gather [hbm4b:s4+s17], $0x80, s17, s17, $0xb8;
	[tilespmem:$0x1E400] =	vst v63  }
0x31: {  	_ =	swait.ge [sflag:s22], $0x4000  }
0x32: {  	[sflag:s22] =	ssyncset.done $0x0  }
0x33: {  	[sflag:s22] =	ssyncadd.s32 $0xFFFFC000  }
0x34: {  	[spmem:s2] =	stream.indirect.scatter.add.f32 [tilespmem:s21], [sflag:$0x4], $0x80, s23, s17, $0xb8;
	[tilespmem:$0x1E400] =	vst v63  }
0x35: {  	_ =	swait.ge [sflag:s24], $0x4000  }
0x36: {  	[sflag:s24] =	ssyncset.done $0x0  }
0x37: {  	s29 =	simm.s32 $0xFFFFB800;
	[sflag:s24] =	ssyncadd.s32 $0xFFFFC000  }
0x38: {  	[tilespmem:s18], [sflag:$0x1] =	stream.indirect.gather [hbm4b:s4+s17], $0x80, s25, s17, $0xb8;
	[tilespmem:$0x1E400] =	vst v63  }
.LBB2_2:
0x39: {  	_ =	swait.ge [sflag:s20], $0x4000  }
0x3a: {  	s30 =	sshra.s32 s29, $0x2;
	[sflag:s20] =	ssyncset.done $0x0  }
0x3b: {  	s31 =	sadd.s32 $0x2700, s30;
	[sflag:s20] =	ssyncadd.s32 $0xFFFFC000  }
0x3c: {  	[spmem:s2] =	stream.indirect.scatter.add.f32 [tilespmem:s18], [sflag:$0x3], $0x80, s31, s17, $0xb8;
	[tilespmem:$0x1E400] =	vst v63  }
0x3d: {  	_ =	swait.ge [sflag:s26], $0x4000  }
0x3e: {  	[sflag:s26] =	ssyncset.done $0x0  }
0x3f: {  	s31 =	sadd.s32 $0x1380, s30;
	[sflag:s26] =	ssyncadd.s32 $0xFFFFC000  }
0x40: {  	[tilespmem:s21], [sflag:$0x2] =	stream.indirect.gather [hbm4b:s4+s17], $0x80, s31, s17, $0xb8;
	[tilespmem:$0x1E400] =	vst v63  }
0x41: {  	_ =	swait.ge [sflag:s22], $0x4000  }
0x42: {  	p0 =	seq.s32 s29, $0x0;
	[sflag:s22] =	ssyncset.done $0x0  }
.Ltmp2:
0x43: {  	s31 =	sadd.s32 $0x2780, s30;
	[sflag:s22] =	ssyncadd.s32 $0xFFFFC000;
	(pc) =	sbr.rel @p0 .LBB2_4-.Ltmp2, $4  }
0x44: {  	[spmem:s2] =	stream.indirect.scatter.add.f32 [tilespmem:s21], [sflag:$0x4], $0x80, s31, s17, $0xb8;
	[tilespmem:$0x1E400] =	vst v63  }
0x45: {  	_ =	swait.ge [sflag:s24], $0x4000  }
0x46: {  	[sflag:s24] =	ssyncset.done $0x0  }
0x47: {  	[sflag:s24] =	ssyncadd.s32 $0xFFFFC000  }
.Ltmp3:
0x48: {  	(pc) =	sbr.rel .LBB2_2-.Ltmp3, $3  }
0x49: {  	_ =	sdelay $0x1  }
0x4a: {  	s30 =	sadd.s32 $0x1400, s30;
	s29 =	sadd.s32 $0x400, s29  }
0x4b: {  	[tilespmem:s18], [sflag:$0x1] =	stream.indirect.gather [hbm4b:s4+s17], $0x80, s30, s17, $0xb8;
	[tilespmem:$0x1E400] =	vst v63  }
.LBB2_4:
0x4c: {  	_ =	swait.ge [sflag:s26], $0x4000  }
0x4d: {  	[sflag:s26] =	ssyncset.done $0x0  }
0x4e: {  	[sflag:s26] =	ssyncadd.s32 $0xFFFFC000  }
0x4f: {  	[tilespmem:s3], [sflag:$0x6] =	stream.linear.gather [hbm4b:s10+s3], $0x1400, $0x38;
	[tilespmem:$0x1E400] =	vst v63  }
0x50: {  	_ =	swait.ge [sflag:s15], $0x1400  }
0x51: {  	[sflag:s15] =	ssyncset.done $0x0  }
0x52: {  	[sflag:s15] =	ssyncadd.s32 $0xFFFFEC00  }
0x53: {  	[tilespmem:s16], [sflag:$0x6] =	stream.linear.gather [hbm4b:s11+s3], $0x1400, $0x38;
	[tilespmem:$0x1E400] =	vst v63  }
0x54: {  	_ =	swait.ge [sflag:s15], $0x1400  }
0x55: {  	[sflag:s15] =	ssyncset.done $0x0  }
0x56: {  	[sflag:s15] =	ssyncadd.s32 $0xFFFFEC00  }
0x57: {  	[tilespmem:s18], [sflag:$0x1] =	stream.indirect.gather [hbm4b:s4+s17], $0x80, s3, s17, $0xb8;
	[tilespmem:$0x1E400] =	vst v63  }
0x58: {  	_ =	swait.ge [sflag:s20], $0x4000  }
0x59: {  	[sflag:s20] =	ssyncset.done $0x0  }
0x5a: {  	[sflag:s20] =	ssyncadd.s32 $0xFFFFC000  }
0x5b: {  	[spmem:s2] =	stream.indirect.scatter.add.f32 [tilespmem:s18], [sflag:$0x3], $0x80, s16, s17, $0xb8;
	[tilespmem:$0x1E400] =	vst v63  }
0x5c: {  	_ = 	snop  }
0x5d: {  	[tilespmem:s21], [sflag:$0x2] =	stream.indirect.gather [hbm4b:s4+s17], $0x80, s17, s17, $0xb8;
	[tilespmem:$0x1E400] =	vst v63  }
0x5e: {  	_ =	swait.ge [sflag:s22], $0x4000  }
0x5f: {  	[sflag:s22] =	ssyncset.done $0x0  }
0x60: {  	[sflag:s22] =	ssyncadd.s32 $0xFFFFC000  }
0x61: {  	[spmem:s2] =	stream.indirect.scatter.add.f32 [tilespmem:s21], [sflag:$0x4], $0x80, s23, s17, $0xb8;
	[tilespmem:$0x1E400] =	vst v63  }
0x62: {  	_ =	swait.ge [sflag:s24], $0x4000  }
0x63: {  	[sflag:s24] =	ssyncset.done $0x0  }
0x64: {  	s29 =	simm.s32 $0xFFFFB800;
	[sflag:s24] =	ssyncadd.s32 $0xFFFFC000  }
0x65: {  	[tilespmem:s18], [sflag:$0x1] =	stream.indirect.gather [hbm4b:s4+s17], $0x80, s25, s17, $0xb8;
	[tilespmem:$0x1E400] =	vst v63  }
.LBB2_5:
0x66: {  	_ =	swait.ge [sflag:s20], $0x4000  }
0x67: {  	s30 =	sshra.s32 s29, $0x2;
	[sflag:s20] =	ssyncset.done $0x0  }
0x68: {  	s31 =	sadd.s32 $0x2700, s30;
	[sflag:s20] =	ssyncadd.s32 $0xFFFFC000  }
0x69: {  	[spmem:s2] =	stream.indirect.scatter.add.f32 [tilespmem:s18], [sflag:$0x3], $0x80, s31, s17, $0xb8;
	[tilespmem:$0x1E400] =	vst v63  }
0x6a: {  	_ =	swait.ge [sflag:s26], $0x4000  }
0x6b: {  	[sflag:s26] =	ssyncset.done $0x0  }
0x6c: {  	s31 =	sadd.s32 $0x1380, s30;
	[sflag:s26] =	ssyncadd.s32 $0xFFFFC000  }
0x6d: {  	[tilespmem:s21], [sflag:$0x2] =	stream.indirect.gather [hbm4b:s4+s17], $0x80, s31, s17, $0xb8;
	[tilespmem:$0x1E400] =	vst v63  }
0x6e: {  	_ =	swait.ge [sflag:s22], $0x4000  }
0x6f: {  	p0 =	seq.s32 s29, $0x0;
	[sflag:s22] =	ssyncset.done $0x0  }
.Ltmp4:
0x70: {  	s31 =	sadd.s32 $0x2780, s30;
	[sflag:s22] =	ssyncadd.s32 $0xFFFFC000;
	(pc) =	sbr.rel @p0 .LBB2_7-.Ltmp4, $4  }
0x71: {  	[spmem:s2] =	stream.indirect.scatter.add.f32 [tilespmem:s21], [sflag:$0x4], $0x80, s31, s17, $0xb8;
	[tilespmem:$0x1E400] =	vst v63  }
0x72: {  	_ =	swait.ge [sflag:s24], $0x4000  }
0x73: {  	[sflag:s24] =	ssyncset.done $0x0  }
0x74: {  	[sflag:s24] =	ssyncadd.s32 $0xFFFFC000  }
.Ltmp5:
0x75: {  	(pc) =	sbr.rel .LBB2_5-.Ltmp5, $3  }
0x76: {  	_ =	sdelay $0x1  }
0x77: {  	s30 =	sadd.s32 $0x1400, s30;
	s29 =	sadd.s32 $0x400, s29  }
0x78: {  	[tilespmem:s18], [sflag:$0x1] =	stream.indirect.gather [hbm4b:s4+s17], $0x80, s30, s17, $0xb8;
	[tilespmem:$0x1E400] =	vst v63  }
.LBB2_8:
0x79: {  	_ =	sfence.sel $0x180000  }
0x7a: {  	[bflag:$0x0] =	sbarrier.arrive $0xFFFF  }
0x7b: {  	p0 =	sne.s32 s1, $0x0;
	_ =	strace $0x9000004A  }
0x7c: {  	s0 =	sadd.s32 @!p0 $0x100000, s0;
	[bflag:$0x2] =	sbarrier.arrive $0xFFFF  }
0x7d: {  	[sflag:s0] =	ssyncadd.tile.s32 @!p0 $0x1;
	_ =	shalt  }
.Lfunc_end2:
_tile_overlayer_lowered:
.L_overlay_start_2:
0x7e: {  	(tag) =	ssettag $0x2  }
0x7f: {  	s0 =	rddreg [dreg:$0x0];
	s2 =	stileid.u32  }
0x80: {  	s1 =	rddreg [dreg:$0x1];
	p0 =	sne.s32 s2, $0x0  }
0x81: {  	s3 =	rddreg [dreg:$0x2];
	[bflag:$0x3] =	sbarrier.arrive $0xFFFF;
	s2 =	simm.s32 @!p0 $0x1C06  }
0x82: {  	[timem:s3], [sflag:s2] =	dma.local @!p0 [hbm:s0], s1  }
0x83: {  	s0 =	simm.s32 @!p0 $0x6  }
0x84: {  	_ =	swait.ge @!p0 [sflag:s0], s1  }
0x85: {  	s1 =	ssub.s32 @!p0 $0x0, s1;
	[sflag:s0] =	ssyncset.done @!p0 $0x0  }
0x86: {  	[sflag:s0] =	ssyncadd.s32 @!p0 s1  }
0x87: {  	[bflag:$0x3] =	sbarrier.arrive $0xFFFF  }
0x88: {  	_ =	shalt  }

// kernel: kernel.7.cloned.1.call-start
scs
__scs_entry_jumppad:
0x0: {  	(pc) =	sbr.rel $0x88, $3  }
0x1: {  	(tag) =	ssettag $0x0;
	lr =	simm.s32 $0x1  }
0x2: {  	[smem:$0x3F91] =	sst lr;
	_ =	strace $0xD0000000  }
0x3: {  	_ = 	snop  }
0x4: {  	_ = 	snop  }
0x5: {  	_ = 	snop  }
0x6: {  	_ = 	snop  }
0x7: {  	_ = 	snop  }
__scs_overlays_trampoline_lowered:
0x8: {  	[smem:$0x3FA0] =	sst s0  }
0x9: {  	[smem:$0x3FA1] =	sst s1  }
0xa: {  	[smem:$0x3FA2] =	sst s2  }
0xb: {  	[smem:$0x3FA3] =	sst s3  }
0xc: {  	[smem:$0x3FA4] =	sst s4  }
0xd: {  	[smem:$0x3FA5] =	sst s5  }
0xe: {  	[smem:$0x3FA6] =	sst s6  }
0xf: {  	[smem:$0x3FA7] =	sst s7  }
0x10: {  	[smem:$0x3FA8] =	sst s8  }
0x11: {  	[smem:$0x3FA9] =	sst s9;
	s0 =	simm.s32 @!p0 $0x0  }
0x12: {  	s1 =	sld [smem:$0x3F8F];
	s0 =	simm.s32 @p0 $0x1  }
0x13: {  	[smem:$0x3FAA] =	sst s0;
	s0 =	simm.s32 @!p1 $0x0  }
0x14: {  	s2 =	sld [smem:$0x3F8E];
	s0 =	simm.s32 @p1 $0x1  }
0x15: {  	[smem:$0x3FAB] =	sst s0;
	s0 =	simm.s32 @!p2 $0x0  }
0x16: {  	s3 =	sld [smem:$0x3FDB];
	s0 =	simm.s32 @p2 $0x1  }
0x17: {  	s4 =	simm.s32 $0x1BF5;
	[smem:$0x3FAD] =	sst s0  }
0x18: {  	s0 =	sld [smem:$0x3F90];
	_ =	swait.ge [sflag:s4], $0x0  }
0x19: {  	s7 =	sld [smem:$0x3F91]  }
0x1a: {  	s8 =	sadd.s32 $0xFFFFE003, lr  }
0x1b: {  	s9 =	sadd.s32 $0xFFFFFEF7, lr;
	s5 =	simm.s32 $0xFFFFFFFF;
	p2 =	slt.u32 s8, $0xFFFFF086  }
0x1c: {  	p1 =	slt.u32 s9, $0xF7A;
	s5 =	simm.s32 @!p2 $0x0  }
0x1d: {  	s5 =	simm.s32 @p1 $0x1;
	p0 =	seq.s32 s7, s2  }
0x1e: {  	s7 =	smul.u32 @!p0 $0xF7A, s2;
	p2 =	seq.s32 @!p0 s5, $0x0  }
0x1f: {  	s9 =	smul.u32 $0xF7A, s1;
	s8 =	simm.s32 @!p0 $0x1BF5;
	p2 =	por !p2, p0  }
0x20: {  	[sflag:s8] =	ssyncset.s32 @!p0 $0xFFFFF086;
	s6 =	sadd.s32 @!p0 s3, s7;
	s7 =	simm.s32 @!p0 $0x108  }
0x21: {  	s3 =	sadd.s32 s3, s9;
	s6 =	sadd.s32 @!p0 $0x88, s6;
	s7 =	simm.s32 @p2 $0x1082  }
0x22: {  	[simem:s7], [sflag:s8] =	dma.local @!p0 [hbm:s6], $0xF7A  }
0x23: {  	s9 =	sor.u32 $0xD0000000, s2;
	s6 =	simm.s32 $0x108;
	_ =	swait.ge @!p0 [sflag:s8], $0x0  }
0x24: {  	s3 =	sadd.s32 $0x88, s3;
	s6 =	simm.s32 @!p1 $0x1082;
	[sflag:s4] =	ssyncset.s32 $0xFFFFF086  }
0x25: {  	[simem:s6], [sflag:s4] =	dma.local [hbm:s3], $0xF7A  }
0x26: {  	[smem:$0x3F91] =	sst s1;
	(tag) =	ssettag s2;
	_ =	strace s9  }
0x27: {  	s1 =	sld [smem:$0x3FA1]  }
0x28: {  	s2 =	sld [smem:$0x3FA2]  }
0x29: {  	s4 =	sld [smem:$0x3FA4]  }
0x2a: {  	p0 =	seq.s32 s5, $0x0;
	s5 =	sld [smem:$0x3FA5]  }
0x2b: {  	s6 =	sld [smem:$0x3FA6]  }
0x2c: {  	s7 =	sld [smem:$0x3FA7]  }
0x2d: {  	s3 =	simm.s32 $0x108;
	s8 =	sld [smem:$0x3FA8]  }
0x2e: {  	s3 =	simm.s32 @!p0 $0x1082;
	s9 =	sld [smem:$0x3FA9]  }
0x2f: {  	lr =	sadd.s32 s0, s3;
	s0 =	sld [smem:$0x3FA0]  }
0x30: {  	s3 =	sld [smem:$0x3FA3]  }
0x31: {  	[smem:$0x3FAC] =	sst s10  }
0x32: {  	s10 =	sld [smem:$0x3FAA];
	_ =	sdelay $0x3  }
0x33: {  	p0 =	seq.s32 s10, $0x1;
	s10 =	sld [smem:$0x3FAC];
	_ =	sdelay $0x3  }
0x34: {  	[smem:$0x3FAC] =	sst s10  }
0x35: {  	s10 =	sld [smem:$0x3FAB];
	_ =	sdelay $0x3  }
0x36: {  	p1 =	seq.s32 s10, $0x1;
	s10 =	sld [smem:$0x3FAC];
	_ =	sdelay $0x3  }
0x37: {  	[smem:$0x3FAC] =	sst s10  }
0x38: {  	s10 =	sld [smem:$0x3FAD]  }
0x39: {  	_ = 	snop;
	(pc) =	sbr.ind lr, $3  }
0x3a: {  	_ = 	snop  }
0x3b: {  	_ = 	snop  }
0x3c: {  	p2 =	seq.s32 s10, $0x1;
	s10 =	sld [smem:$0x3FAC]  }
0x3d: {  	_ =	shalt  }
0x3e: {  	_ =	shalt  }
0x3f: {  	_ =	shalt  }
0x40: {  	_ =	shalt  }
0x41: {  	_ =	shalt  }
0x42: {  	_ =	shalt  }
0x43: {  	_ =	shalt  }
0x44: {  	_ =	shalt  }
0x45: {  	_ =	shalt  }
0x46: {  	_ =	shalt  }
0x47: {  	_ =	shalt  }
0x48: {  	_ =	shalt  }
0x49: {  	_ =	shalt  }
0x4a: {  	_ =	shalt  }
0x4b: {  	_ =	shalt  }
0x4c: {  	_ =	shalt  }
0x4d: {  	_ =	shalt  }
0x4e: {  	_ =	shalt  }
0x4f: {  	_ =	shalt  }
0x50: {  	_ =	shalt  }
0x51: {  	_ =	shalt  }
0x52: {  	_ =	shalt  }
0x53: {  	_ =	shalt  }
0x54: {  	_ =	shalt  }
0x55: {  	_ =	shalt  }
0x56: {  	_ =	shalt  }
0x57: {  	_ =	shalt  }
0x58: {  	_ =	shalt  }
0x59: {  	_ =	shalt  }
0x5a: {  	_ =	shalt  }
0x5b: {  	_ =	shalt  }
0x5c: {  	_ =	shalt  }
0x5d: {  	_ =	shalt  }
0x5e: {  	_ =	shalt  }
0x5f: {  	_ =	shalt  }
0x60: {  	_ =	shalt  }
0x61: {  	_ =	shalt  }
0x62: {  	_ =	shalt  }
0x63: {  	_ =	shalt  }
0x64: {  	_ =	shalt  }
0x65: {  	_ =	shalt  }
0x66: {  	_ =	shalt  }
0x67: {  	_ =	shalt  }
0x68: {  	_ =	shalt  }
0x69: {  	_ =	shalt  }
0x6a: {  	_ =	shalt  }
0x6b: {  	_ =	shalt  }
0x6c: {  	_ =	shalt  }
0x6d: {  	_ =	shalt  }
0x6e: {  	_ =	shalt  }
0x6f: {  	_ =	shalt  }
0x70: {  	_ =	shalt  }
0x71: {  	_ =	shalt  }
0x72: {  	_ =	shalt  }
0x73: {  	_ =	shalt  }
0x74: {  	_ =	shalt  }
0x75: {  	_ =	shalt  }
0x76: {  	_ =	shalt  }
0x77: {  	_ =	shalt  }
0x78: {  	_ =	shalt  }
0x79: {  	_ =	shalt  }
0x7a: {  	_ =	shalt  }
0x7b: {  	_ =	shalt  }
0x7c: {  	_ =	shalt  }
0x7d: {  	_ =	shalt  }
0x7e: {  	_ =	shalt  }
0x7f: {  	_ =	shalt  }
0x80: {  	_ =	shalt  }
0x81: {  	_ =	shalt  }
0x82: {  	_ =	shalt  }
0x83: {  	_ =	shalt  }
0x84: {  	_ =	shalt  }
0x85: {  	_ =	shalt  }
0x86: {  	_ =	shalt  }
0x87: {  	_ =	shalt  }
.Lfunc_end0:
.L_simem_size_0:
called_computation_lowered:
.L_overlay_start_0:
0x88: {  	s2 =	sld [smem:$0x3FD9]  }
0x89: {  	s3 =	sld [smem:$0x3FFE];
	_ =	sdelay $0x1  }
0x8a: {  	s1 =	srdreg.scid  }
0x8b: {  	s0 =	sand.u32 $0x1, s1  }
0x8c: {  	s17 =	sshll.u32 s0, $0xA;
	s2 =	sadd.s32 s3, s2  }
0x8d: {  	s2 =	sadd.s32 s2, s17  }
0x8e: {  	[smem:$0x3FB8] =	sst s2  }
0x8f: {  	_ = 	snop  }
0x90: {  	s2 =	sld [smem:$0x3FD0];
	(tm) =	ssettm $0x1  }
0x91: {  	s18 =	sld [smem:$0x3FFB];
	_ =	sdelay $0x3  }
0x92: {  	_ =	strace s18  }
0x93: {  	s3 =	sld [smem:$0x3FFC];
	_ =	sdelay $0x3  }
0x94: {  	_ =	strace s3  }
0x95: {  	s3 =	sld [smem:$0x3FFD];
	_ =	sdelay $0x3  }
0x96: {  	_ =	strace s3  }
0x97: {  	_ =	strace $0x8FFFFFFF  }
0x98: {  	s19 =	sld [smem:$0x3FDB];
	_ =	sdelay $0x1  }
0x99: {  	s4 =	simm.s32 $_scs_section_size  }
0x9a: {  	s5 =	simm.s32 $_size__tile_overlayer_lowered;
	s6 =	simm.s32 $_tile_overlayer_lowered  }
0x9b: {  	s22 =	simm.s32 $0x1BFF;
	s21 =	sshll.u32 s6, $0x1;
	s3 =	sadd.s32 s4, s19  }
0x9c: {  	s7 =	simm.s32 $0x0;
	s20 =	sshll.u32 s5, $0x1;
	s5 =	sadd.s32 s21, s3  }
0x9d: {  	[timem:s7], [sflag:s22] =	dma.local [hbm:s5], s20  }
0x9e: {  	_ =	swait.ge [sflag:s22], s20  }
0x9f: {  	s4 =	ssub.s32 $0x0, s20;
	[sflag:s22] =	ssyncset.done $0x0  }
0xa0: {  	[sflag:s22] =	ssyncadd.s32 s4;
	_ =	sdelay $0x1  }
0xa1: {  	s23 =	simm.s32 $0x1B8B  }
0xa2: {  	_ =	swait.ge [sflag:s23], $0x1  }
0xa3: {  	[sflag:s23] =	ssyncset.done $0x0  }
0xa4: {  	s25 =	simm.s32 $0x1B8E;
	s24 =	sld [smem:$0x3FFE];
	[sflag:s23] =	ssyncadd.s32 $0xFFFFFFFF  }
0xa5: {  	s26 =	simm.s32 $execute0_lowered;
	[smem:$0x3FD2] =	sst s25  }
0xa6: {  	s5 =	sshll.u32 s26, $0x1;
	_ =	strace $0x80000046;
	[dreg:$0x1] =	wrdreg $0xFFFFFFFF  }
0xa7: {  	s28 =	simm.s32 $_size_execute0_lowered;
	s3 =	sadd.s32 s3, s5;
	[dreg:$0x0] =	wrdreg $0x0  }
0xa8: {  	s5 =	sshll.u32 s28, $0x1;
	[dreg:$0x2] =	wrdreg s3  }
0xa9: {  	[dreg:$0x3] =	wrdreg s5  }
0xaa: {  	[dreg:$0x4] =	wrdreg $0xC0  }
0xab: {  	_ =	task [dreg:s7], $0x5FFFF  }
0xac: {  	[dreg:$0x1] =	wrdreg $0xFFFFFFFF  }
0xad: {  	[dreg:$0x0] =	wrdreg $0x60  }
0xae: {  	[dreg:$0x2] =	wrdreg s24  }
0xaf: {  	[dreg:$0x3] =	wrdreg s2  }
0xb0: {  	[dreg:$0x4] =	wrdreg $0xA8000  }
0xb1: {  	[dreg:$0x5] =	wrdreg $0x9  }
0xb2: {  	_ =	task.clear_ibuf [dreg:s7], $0x6FFFF;
	_ =	strace $0x90000046  }
0xb3: {  	s29 =	simm.s32 $0x9;
	_ =	strace $0x80000048  }
0xb4: {  	_ =	swait.ge [sflag:s29], $0x1  }
0xb5: {  	[sflag:s29] =	ssyncadd.s32 $0xFFFFFFFF  }
0xb6: {  	_ =	strace $0x90000048  }
0xb7: {  	_ =	sfence  }
0xb8: {  	s30 =	sld [smem:$0x0];
	_ =	sdelay $0x2  }
0xb9: {  	s31 =	sshll.u32 s1, $0xD;
	s1 =	sshrl.u32 s1, $0x2  }
0xba: {  	s3 =	sand.u32 $0x4000, s31;
	s1 =	sadd.s32 s1, s30  }
0xbb: {  	s0 =	sor.u32 s3, s0;
	s1 =	sshll.u32 s1, $0x11  }
0xbc: {  	s0 =	sor.u32 s1, s0  }
0xbd: {  	s0 =	sadd.s32 $0x8F2B, s0  }
0xbe: {  	[sflag:s0] =	ssyncadd.remote.s32 $0x1  }
0xbf: {  	_ =	sfence.sel $0xFFFF  }
0xc0: {  	[dreg:$0x0] =	wrdreg $0xFFFFFFFF;
	(pc) =	sbr.abs _section_cstart, $3  }
0xc1: {  	[dreg:$0x1] =	wrdreg $0xFFFFFFFF  }
0xc2: {  	_ =	task.clear_ibuf [dreg:s7], $0x2FFFF;
	_ =	strace $0x9FFFFFFF  }
0xc3: {  	(tm) =	ssettm $0x7FFFFFFF  }
tec
execute0_lowered:
.L_overlay_start_1:
0x0: {  	(tag) =	ssettag $0x1  }
0x1: {  	s5 =	rddreg [dreg:$0x0]  }
0x2: {  	s10 =	rddreg [dreg:$0x1];
	s0 =	srdreg.scid  }
0x3: {  	s2 =	rddreg [dreg:$0x2];
	s1 =	stileid.u32;
	s3 =	simm.s32 $0x0  }
0x4: {  	s18 =	simm.s32 $0x2800;
	s19 =	simm.s32 $0x5;
	s20 =	simm.s32 $0x1  }
0x5: {  	s21 =	simm.s32 $0x6800;
	s22 =	simm.s32 $0x2;
	s8 =	smul.u32 $0x278, s1  }
0x6: {  	s23 =	simm.s32 $0x1480;
	s24 =	simm.s32 $0x3;
	s9 =	smul.u32 $0x4F000, s1  }
0x7: {  	s6 =	sand.u32 $0x1, s0;
	s0 =	rddreg [dreg:$0x3];
	s16 =	smul.u32 $0x2800, s1  }
0x8: {  	s28 =	simm.s32 $0x0;
	[smem:$0x7FF] =	sst s3;
	s17 =	smul.u32 $0x500, s1  }
0x9: {  	s4 =	sadd.s32 $0x7600, s5;
	s11 =	sadd.s32 $0x2600, s5;
	s7 =	smul.u32 $0x2780, s6  }
0xa: {  	_ =	strace $0x80000047;
	s25 =	sshll.u32 s6, $0x4;
	s6 =	ssub.s32 $0x2, s6  }
0xb: {  	s26 =	sshrl.u32 s6, $0x1;
	s29 =	sshrl.u32 s9, $0x2;
	s16 =	sshrl.u32 s16, $0x3  }
0xc: {  	s9 =	sadd.s32 s11, s17;
	s17 =	simm.s32 $0x80;
	s7 =	sadd.s32 s8, s7  }
0xd: {  	s8 =	sor.u32 s1, s25;
	s14 =	ssub.s32 s6, s26;
	s15 =	sadd.s32 s29, s2  }
0xe: {  	s11 =	sadd.s32 s11, s16;
	s16 =	simm.s32 $0x1400;
	s13 =	smul.u32 $0x500, s8  }
0xf: {  	s25 =	simm.s32 $0x100;
	s26 =	simm.s32 $0x4;
	s30 =	smul.u32 $0x2800, s8  }
.Ltmp0:
0x10: {  	s7 =	sshll.u32 s7, $0x4;
	s11 =	sadd.s32 $0x280, s11;
	(pc) =	sbr.rel .LBB2_1-.Ltmp0, $4  }
0x11: {  	s12 =	sadd.s32 s7, s5;
	s5 =	sshll.u32 s1, $0x6;
	s6 =	sadd.s32 s4, s7  }
0x12: {  	s7 =	sor.u32 $0x1C05, s5;
	s8 =	sadd.s32 s10, s13;
	s31 =	sshrl.u32 s30, $0x3  }
0x13: {  	s12 =	sadd.s32 $0x56600, s12;
	s13 =	smax.u32 s14, $0x1;
	s10 =	sadd.s32 s10, s31  }
0x14: {  	s14 =	sshrl.u32 s15, $0x3;
	s15 =	simm.s32 $0x6;
	s10 =	sadd.s32 $0x280, s10  }
.LBB2_7:
0x15: {  	_ =	swait.ge [sflag:s26], $0x4000  }
0x16: {  	s28 =	sadd.s32 $0x1, s28;
	[sflag:s26] =	ssyncset.done $0x0  }
0x17: {  	p0 =	sne.s32 s28, s13;
	[sflag:s26] =	ssyncadd.s32 $0xFFFFC000  }
.Ltmp1:
0x18: {  	s29 =	sor.u32 $0x1C06, s5;
	[bflag:$0x0] =	sbarrier.arrive $0xFFFF;
	(pc) =	sbr.rel @!p0 .LBB2_8-.Ltmp1, $4  }
0x19: {  	[hbm:s12], [sflag:s29] =	dma.local [spmem:s14], $0x2780  }
0x1a: {  	_ =	swait.ge [sflag:s15], $0x2780  }
0x1b: {  	[sflag:s15] =	ssyncset.done $0x0  }
0x1c: {  	[sflag:s15] =	ssyncadd.s32 $0xFFFFD880  }
.LBB2_1:
0x1d: {  	[spmem:s14], [sflag:s7] =	dma.local [hbm:s6], $0x2780  }
0x1e: {  	[tilespmem:s3], [sflag:$0x6] =	stream.linear.gather [hbm4b:s8+s3], $0x1400, $0x38;
	[tilespmem:$0x1E400] =	vst v63  }
0x1f: {  	_ =	swait.ge [sflag:s15], $0x1400  }
0x20: {  	[sflag:s15] =	ssyncset.done $0x0  }
0x21: {  	[sflag:s15] =	ssyncadd.s32 $0xFFFFEC00  }
0x22: {  	[tilespmem:s16], [sflag:$0x6] =	stream.linear.gather [hbm4b:s9+s3], $0x1400, $0x38;
	[tilespmem:$0x1E400] =	vst v63  }
0x23: {  	_ =	swait.ge [sflag:s15], $0x1400  }
0x24: {  	[sflag:s15] =	ssyncset.done $0x0  }
0x25: {  	[sflag:s15] =	ssyncadd.s32 $0xFFFFEC00  }
0x26: {  	[tilespmem:s18], [sflag:$0x1] =	stream.indirect.gather [hbm4b:s4+s17], $0x80, s3, s17, $0xb8;
	[tilespmem:$0x1E400] =	vst v63  }
0x27: {  	_ =	swait.ge [sflag:s19], $0x2780  }
0x28: {  	[sflag:s19] =	ssyncset.done $0x0  }
0x29: {  	[sflag:s19] =	ssyncadd.s32 $0xFFFFD880  }
0x2a: {  	[bflag:$0x0] =	sbarrier.arrive $0xFFFF  }
0x2b: {  	_ =	swait.ge [sflag:s20], $0x4000  }
0x2c: {  	[sflag:s20] =	ssyncset.done $0x0  }
0x2d: {  	[sflag:s20] =	ssyncadd.s32 $0xFFFFC000  }
0x2e: {  	[spmem:s2] =	stream.indirect.scatter.add.f32 [tilespmem:s18], [sflag:$0x3], $0x80, s16, s17, $0xb8;
	[tilespmem:$0x1E400] =	vst v63  }
0x2f: {  	_ = 	snop  }
0x30: {  	[tilespmem:s21], [sflag:$0x2] =	stream.indirect.gather [hbm4b:s4+s17], $0x80, s17, s17, $0xb8;
	[tilespmem:$0x1E400] =	vst v63  }
0x31: {  	_ =	swait.ge [sflag:s22], $0x4000  }
0x32: {  	[sflag:s22] =	ssyncset.done $0x0  }
0x33: {  	[sflag:s22] =	ssyncadd.s32 $0xFFFFC000  }
0x34: {  	[spmem:s2] =	stream.indirect.scatter.add.f32 [tilespmem:s21], [sflag:$0x4], $0x80, s23, s17, $0xb8;
	[tilespmem:$0x1E400] =	vst v63  }
0x35: {  	_ =	swait.ge [sflag:s24], $0x4000  }
0x36: {  	[sflag:s24] =	ssyncset.done $0x0  }
0x37: {  	s29 =	simm.s32 $0xFFFFB800;
	[sflag:s24] =	ssyncadd.s32 $0xFFFFC000  }
0x38: {  	[tilespmem:s18], [sflag:$0x1] =	stream.indirect.gather [hbm4b:s4+s17], $0x80, s25, s17, $0xb8;
	[tilespmem:$0x1E400] =	vst v63  }
.LBB2_2:
0x39: {  	_ =	swait.ge [sflag:s20], $0x4000  }
0x3a: {  	s30 =	sshra.s32 s29, $0x2;
	[sflag:s20] =	ssyncset.done $0x0  }
0x3b: {  	s31 =	sadd.s32 $0x2700, s30;
	[sflag:s20] =	ssyncadd.s32 $0xFFFFC000  }
0x3c: {  	[spmem:s2] =	stream.indirect.scatter.add.f32 [tilespmem:s18], [sflag:$0x3], $0x80, s31, s17, $0xb8;
	[tilespmem:$0x1E400] =	vst v63  }
0x3d: {  	_ =	swait.ge [sflag:s26], $0x4000  }
0x3e: {  	[sflag:s26] =	ssyncset.done $0x0  }
0x3f: {  	s31 =	sadd.s32 $0x1380, s30;
	[sflag:s26] =	ssyncadd.s32 $0xFFFFC000  }
0x40: {  	[tilespmem:s21], [sflag:$0x2] =	stream.indirect.gather [hbm4b:s4+s17], $0x80, s31, s17, $0xb8;
	[tilespmem:$0x1E400] =	vst v63  }
0x41: {  	_ =	swait.ge [sflag:s22], $0x4000  }
0x42: {  	p0 =	seq.s32 s29, $0x0;
	[sflag:s22] =	ssyncset.done $0x0  }
.Ltmp2:
0x43: {  	s31 =	sadd.s32 $0x2780, s30;
	[sflag:s22] =	ssyncadd.s32 $0xFFFFC000;
	(pc) =	sbr.rel @p0 .LBB2_4-.Ltmp2, $4  }
0x44: {  	[spmem:s2] =	stream.indirect.scatter.add.f32 [tilespmem:s21], [sflag:$0x4], $0x80, s31, s17, $0xb8;
	[tilespmem:$0x1E400] =	vst v63  }
0x45: {  	_ =	swait.ge [sflag:s24], $0x4000  }
0x46: {  	[sflag:s24] =	ssyncset.done $0x0  }
0x47: {  	[sflag:s24] =	ssyncadd.s32 $0xFFFFC000  }
.Ltmp3:
0x48: {  	(pc) =	sbr.rel .LBB2_2-.Ltmp3, $3  }
0x49: {  	_ =	sdelay $0x1  }
0x4a: {  	s30 =	sadd.s32 $0x1400, s30;
	s29 =	sadd.s32 $0x400, s29  }
0x4b: {  	[tilespmem:s18], [sflag:$0x1] =	stream.indirect.gather [hbm4b:s4+s17], $0x80, s30, s17, $0xb8;
	[tilespmem:$0x1E400] =	vst v63  }
.LBB2_4:
0x4c: {  	_ =	swait.ge [sflag:s26], $0x4000  }
0x4d: {  	[sflag:s26] =	ssyncset.done $0x0  }
0x4e: {  	[sflag:s26] =	ssyncadd.s32 $0xFFFFC000  }
0x4f: {  	[tilespmem:s3], [sflag:$0x6] =	stream.linear.gather [hbm4b:s10+s3], $0x1400, $0x38;
	[tilespmem:$0x1E400] =	vst v63  }
0x50: {  	_ =	swait.ge [sflag:s15], $0x1400  }
0x51: {  	[sflag:s15] =	ssyncset.done $0x0  }
0x52: {  	[sflag:s15] =	ssyncadd.s32 $0xFFFFEC00  }
0x53: {  	[tilespmem:s16], [sflag:$0x6] =	stream.linear.gather [hbm4b:s11+s3], $0x1400, $0x38;
	[tilespmem:$0x1E400] =	vst v63  }
0x54: {  	_ =	swait.ge [sflag:s15], $0x1400  }
0x55: {  	[sflag:s15] =	ssyncset.done $0x0  }
0x56: {  	[sflag:s15] =	ssyncadd.s32 $0xFFFFEC00  }
0x57: {  	[tilespmem:s18], [sflag:$0x1] =	stream.indirect.gather [hbm4b:s4+s17], $0x80, s3, s17, $0xb8;
	[tilespmem:$0x1E400] =	vst v63  }
0x58: {  	_ =	swait.ge [sflag:s20], $0x4000  }
0x59: {  	[sflag:s20] =	ssyncset.done $0x0  }
0x5a: {  	[sflag:s20] =	ssyncadd.s32 $0xFFFFC000  }
0x5b: {  	[spmem:s2] =	stream.indirect.scatter.add.f32 [tilespmem:s18], [sflag:$0x3], $0x80, s16, s17, $0xb8;
	[tilespmem:$0x1E400] =	vst v63  }
0x5c: {  	_ = 	snop  }
0x5d: {  	[tilespmem:s21], [sflag:$0x2] =	stream.indirect.gather [hbm4b:s4+s17], $0x80, s17, s17, $0xb8;
	[tilespmem:$0x1E400] =	vst v63  }
0x5e: {  	_ =	swait.ge [sflag:s22], $0x4000  }
0x5f: {  	[sflag:s22] =	ssyncset.done $0x0  }
0x60: {  	[sflag:s22] =	ssyncadd.s32 $0xFFFFC000  }
0x61: {  	[spmem:s2] =	stream.indirect.scatter.add.f32 [tilespmem:s21], [sflag:$0x4], $0x80, s23, s17, $0xb8;
	[tilespmem:$0x1E400] =	vst v63  }
0x62: {  	_ =	swait.ge [sflag:s24], $0x4000  }
0x63: {  	[sflag:s24] =	ssyncset.done $0x0  }
0x64: {  	s29 =	simm.s32 $0xFFFFB800;
	[sflag:s24] =	ssyncadd.s32 $0xFFFFC000  }
0x65: {  	[tilespmem:s18], [sflag:$0x1] =	stream.indirect.gather [hbm4b:s4+s17], $0x80, s25, s17, $0xb8;
	[tilespmem:$0x1E400] =	vst v63  }
.LBB2_5:
0x66: {  	_ =	swait.ge [sflag:s20], $0x4000  }
0x67: {  	s30 =	sshra.s32 s29, $0x2;
	[sflag:s20] =	ssyncset.done $0x0  }
0x68: {  	s31 =	sadd.s32 $0x2700, s30;
	[sflag:s20] =	ssyncadd.s32 $0xFFFFC000  }
0x69: {  	[spmem:s2] =	stream.indirect.scatter.add.f32 [tilespmem:s18], [sflag:$0x3], $0x80, s31, s17, $0xb8;
	[tilespmem:$0x1E400] =	vst v63  }
0x6a: {  	_ =	swait.ge [sflag:s26], $0x4000  }
0x6b: {  	[sflag:s26] =	ssyncset.done $0x0  }
0x6c: {  	s31 =	sadd.s32 $0x1380, s30;
	[sflag:s26] =	ssyncadd.s32 $0xFFFFC000  }
0x6d: {  	[tilespmem:s21], [sflag:$0x2] =	stream.indirect.gather [hbm4b:s4+s17], $0x80, s31, s17, $0xb8;
	[tilespmem:$0x1E400] =	vst v63  }
0x6e: {  	_ =	swait.ge [sflag:s22], $0x4000  }
0x6f: {  	p0 =	seq.s32 s29, $0x0;
	[sflag:s22] =	ssyncset.done $0x0  }
.Ltmp4:
0x70: {  	s31 =	sadd.s32 $0x2780, s30;
	[sflag:s22] =	ssyncadd.s32 $0xFFFFC000;
	(pc) =	sbr.rel @p0 .LBB2_7-.Ltmp4, $4  }
0x71: {  	[spmem:s2] =	stream.indirect.scatter.add.f32 [tilespmem:s21], [sflag:$0x4], $0x80, s31, s17, $0xb8;
	[tilespmem:$0x1E400] =	vst v63  }
0x72: {  	_ =	swait.ge [sflag:s24], $0x4000  }
0x73: {  	[sflag:s24] =	ssyncset.done $0x0  }
0x74: {  	[sflag:s24] =	ssyncadd.s32 $0xFFFFC000  }
.Ltmp5:
0x75: {  	(pc) =	sbr.rel .LBB2_5-.Ltmp5, $3  }
0x76: {  	_ =	sdelay $0x1  }
0x77: {  	s30 =	sadd.s32 $0x1400, s30;
	s29 =	sadd.s32 $0x400, s29  }
0x78: {  	[tilespmem:s18], [sflag:$0x1] =	stream.indirect.gather [hbm4b:s4+s17], $0x80, s30, s17, $0xb8;
	[tilespmem:$0x1E400] =	vst v63  }
.LBB2_8:
0x79: {  	_ =	sfence.sel $0x180000  }
0x7a: {  	[bflag:$0x0] =	sbarrier.arrive $0xFFFF  }
0x7b: {  	p0 =	sne.s32 s1, $0x0;
	_ =	strace $0x90000047  }
0x7c: {  	s0 =	sadd.s32 @!p0 $0x100000, s0;
	[bflag:$0x2] =	sbarrier.arrive $0xFFFF  }
0x7d: {  	[sflag:s0] =	ssyncadd.tile.s32 @!p0 $0x1;
	_ =	shalt  }
.Lfunc_end2:
_tile_overlayer_lowered:
.L_overlay_start_2:
0x7e: {  	(tag) =	ssettag $0x2  }
0x7f: {  	s0 =	rddreg [dreg:$0x0];
	s2 =	stileid.u32  }
0x80: {  	s1 =	rddreg [dreg:$0x1];
	p0 =	sne.s32 s2, $0x0  }
0x81: {  	s3 =	rddreg [dreg:$0x2];
	[bflag:$0x3] =	sbarrier.arrive $0xFFFF;
	s2 =	simm.s32 @!p0 $0x1C06  }
0x82: {  	[timem:s3], [sflag:s2] =	dma.local @!p0 [hbm:s0], s1  }
0x83: {  	s0 =	simm.s32 @!p0 $0x6  }
0x84: {  	_ =	swait.ge @!p0 [sflag:s0], s1  }
0x85: {  	s1 =	ssub.s32 @!p0 $0x0, s1;
	[sflag:s0] =	ssyncset.done @!p0 $0x0  }
0x86: {  	[sflag:s0] =	ssyncadd.s32 @!p0 s1  }
0x87: {  	[bflag:$0x3] =	sbarrier.arrive $0xFFFF  }
0x88: {  	_ =	shalt  }

</sc_bundles>
